<compile_context>
chip_gen: v7x
topology: tpu7x:2x2x1
jax: 0.10.2.dev20260603
libtpu: 0.0.44.dev20260713+nightly
codegen_flags: <defaults>
</compile_context>

<pallas_src>
import functools

import jax
import jax.numpy as jnp
from jax import lax
from jax.experimental import pallas as pl
from jax.experimental.pallas import tpu as pltpu
from jax.experimental.pallas import tpu_sc as plsc

_NC = 2
_NS = 16
_BLK = 128


def _sc_mesh():
    return plsc.VectorSubcoreMesh(core_axis_name="c", subcore_axis_name="s")


def _make_deg_kernel(nb, nz, d):
    rows_per_tile = nz // _NS

    @functools.partial(
        pl.kernel,
        out_type=jax.ShapeDtypeStruct((_NC, nz), jnp.float32),
        mesh=_sc_mesh(),
        scratch_types=[
            pltpu.VMEM((nb, _BLK), jnp.int32),
            pltpu.VMEM((_BLK,), jnp.float32),
            pltpu.VMEM_SHARED((nz,), jnp.float32),
        ],
    )
    def deg_kernel(dstp_hbm, ones_hbm, zeros_hbm, out_hbm, dsti_v, ones_v, acc_sh):
        c = lax.axis_index("c")
        s = lax.axis_index("s")
        row0 = s * rows_per_tile
        pltpu.sync_copy(zeros_hbm, acc_sh.at[pl.ds(row0, rows_per_tile)])
        pltpu.sync_copy(ones_hbm, ones_v)
        pltpu.sync_copy(dstp_hbm.at[c, s], dsti_v)
        plsc.subcore_barrier()

        def body(j, carry):
            pltpu.sync_copy(ones_v, acc_sh.at[dsti_v.at[j]], add=True)
            return carry

        lax.fori_loop(0, nb, body, 0)
        plsc.subcore_barrier()
        pltpu.sync_copy(acc_sh.at[pl.ds(row0, rows_per_tile)],
                        out_hbm.at[c, pl.ds(row0, rows_per_tile)])

    return deg_kernel


def _make_scatter_kernel(n, nb, nz, d):
    rows_per_tile = nz // _NS

    @functools.partial(
        pl.kernel,
        out_type=jax.ShapeDtypeStruct((_NC, nz, d), jnp.float32),
        mesh=_sc_mesh(),
        scratch_types=[
            pltpu.VMEM((2, 2, _BLK), jnp.int32),
            pltpu.VMEM((2, _BLK, d), jnp.float32),
            pltpu.VMEM_SHARED((nz, d), jnp.float32),
            pltpu.SemaphoreType.DMA((2,)),
            pltpu.SemaphoreType.DMA((2,)),
        ],
    )
    def scatter_kernel(y_hbm, idxp_hbm, zrows_hbm, out_hbm,
                       idx_v, rows_v, acc_sh, gsems, isems):
        c = lax.axis_index("c")
        s = lax.axis_index("s")
        row0 = s * rows_per_tile
        pltpu.sync_copy(zrows_hbm, acc_sh.at[pl.ds(row0, rows_per_tile)])
        plsc.subcore_barrier()

        pltpu.sync_copy(idxp_hbm.at[c, s, 0], idx_v.at[0])
        pltpu.async_copy(y_hbm.at[idx_v.at[0, 0]], rows_v.at[0], gsems.at[0])
        if nb > 1:
            pltpu.async_copy(idxp_hbm.at[c, s, 1], idx_v.at[1], isems.at[1])

        def body(j, carry):
            p = lax.rem(j, 2)
            q = 1 - p

            @pl.when(j + 1 < nb)
            def _():
                pltpu.make_async_copy(idxp_hbm.at[c, s, 0], idx_v.at[q],
                                      isems.at[q]).wait()
                pltpu.async_copy(y_hbm.at[idx_v.at[q, 0]], rows_v.at[q],
                                 gsems.at[q])

            pltpu.make_async_copy(y_hbm.at[idx_v.at[p, 0]], rows_v.at[p],
                                  gsems.at[p]).wait()
            pltpu.sync_copy(rows_v.at[p], acc_sh.at[idx_v.at[p, 1]], add=True)

            @pl.when(j + 2 < nb)
            def _():
                pltpu.async_copy(idxp_hbm.at[c, s, j + 2], idx_v.at[p],
                                 isems.at[p])

            return carry

        lax.fori_loop(0, nb, body, 0)
        plsc.subcore_barrier()
        pltpu.sync_copy(acc_sh.at[pl.ds(row0, rows_per_tile)],
                        out_hbm.at[c, pl.ds(row0, rows_per_tile)])

    return scatter_kernel


def _dot(a, b):
    return lax.dot_general(a, b, (((1,), (0,)), ((), ())),
                           precision=lax.Precision.HIGHEST,
                           preferred_element_type=jnp.float32)


def _leaky(x):
    return jnp.where(x >= 0, x, 0.01 * x)


def _row_specs(bn, d, n_full, n_one):
    full = [pl.BlockSpec((bn, d), lambda i: (i, 0)) for _ in range(n_full)]
    one = [pl.BlockSpec((1, d), lambda i: (0, 0)) for _ in range(n_one)]
    return full, one


def kernel(x, edge_index, W1, b1, s1W, s1b, g1, be1, m1, v1,
           W2, b2, s2W, s2b, skW, skb, g2, be2, m2, v2):
    n, d = x.shape
    e = edge_index.shape[1]
    nw = _NC * _NS

    ept = -(-e // nw)
    nb = -(-ept // _BLK)
    ep_pad = nb * _BLK
    nz = -(-(n + 1) // (_NS * 16)) * (_NS * 16)
    e_pad = ep_pad * nw
    src = jnp.pad(edge_index[0], (0, e_pad - e), constant_values=0)
    dst = jnp.pad(edge_index[1], (0, e_pad - e), constant_values=n)
    srcp = src.reshape(_NC, _NS, nb, _BLK)
    dstp = dst.reshape(_NC, _NS, nb, _BLK)
    idxp = jnp.stack([srcp, dstp], axis=3)
    ones128 = jnp.ones((_BLK,), jnp.float32)
    zeros1 = jnp.zeros((nz // _NS,), jnp.float32)
    zrows = jnp.zeros((nz // _NS, d), jnp.float32)

    deg_kernel = _make_deg_kernel(nb, nz, d)
    scatter_kernel = _make_scatter_kernel(n, nb, nz, d)

    degp = deg_kernel(dstp, ones128, zeros1)
    dega = degp[0, :n].reshape(n, 1)
    degb = degp[1, :n].reshape(n, 1)

    bn_rows = 2000
    grid = (n // bn_rows,)

    def tc_a_body(x_ref, w_ref, da_ref, db_ref, y_ref, dinv_ref):
        deg = da_ref[...] + db_ref[...] + 1.0
        dinv = lax.rsqrt(deg)
        dinv_ref[...] = dinv
        y_ref[...] = dinv * _dot(x_ref[...], w_ref[...])

    row_spec = pl.BlockSpec((bn_rows, d), lambda i: (i, 0))
    col_spec = pl.BlockSpec((bn_rows, 1), lambda i: (i, 0))
    w_spec = pl.BlockSpec((d, d), lambda i: (0, 0))
    p_spec = pl.BlockSpec((1, d), lambda i: (0, 0))

    y1, dinv = pl.pallas_call(
        tc_a_body,
        grid=grid,
        in_specs=[row_spec, w_spec, col_spec, col_spec],
        out_specs=[row_spec, col_spec],
        out_shape=[jax.ShapeDtypeStruct((n, d), jnp.float32),
                   jax.ShapeDtypeStruct((n, 1), jnp.float32)],
    )(x, W1, dega, degb)

    z1p = scatter_kernel(y1, idxp, zrows)
    z1a = z1p[0, :n]
    z1b = z1p[1, :n]

    def tc_c_body(za_ref, zb_ref, y_ref, x_ref, dinv_ref,
                  b1_ref, s1W_ref, s1b_ref, g1_ref, be1_ref, m1_ref, v1_ref,
                  W2_ref, h3_ref, y2_ref):
        dinv = dinv_ref[...]
        zsum = za_ref[...] + zb_ref[...] + y_ref[...]
        h1 = jax.nn.relu(dinv * zsum + b1_ref[...] + x_ref[...])
        h2 = jax.nn.relu(_leaky(_dot(h1, s1W_ref[...]) + s1b_ref[...]) + h1)
        bn1 = (h2 - m1_ref[...]) * lax.rsqrt(v1_ref[...] + 1e-5) * g1_ref[...] \
            + be1_ref[...]
        h3 = jax.nn.relu(bn1 + h2)
        h3_ref[...] = h3
        y2_ref[...] = dinv * _dot(h3, W2_ref[...])

    h3, y2 = pl.pallas_call(
        tc_c_body,
        grid=grid,
        in_specs=[row_spec, row_spec, row_spec, row_spec, col_spec,
                  p_spec, w_spec, p_spec, p_spec, p_spec, p_spec, p_spec,
                  w_spec],
        out_specs=[row_spec, row_spec],
        out_shape=[jax.ShapeDtypeStruct((n, d), jnp.float32),
                   jax.ShapeDtypeStruct((n, d), jnp.float32)],
    )(z1a, z1b, y1, x, dinv,
      b1.reshape(1, d), s1W, s1b.reshape(1, d), g1.reshape(1, d),
      be1.reshape(1, d), m1.reshape(1, d), v1.reshape(1, d), W2)

    z2p = scatter_kernel(y2, idxp, zrows)
    z2a = z2p[0, :n]
    z2b = z2p[1, :n]

    def tc_d_body(za_ref, zb_ref, y_ref, h3_ref, dinv_ref,
                  b2_ref, s2W_ref, s2b_ref, skW_ref, skb_ref,
                  g2_ref, be2_ref, m2_ref, v2_ref, out_ref):
        dinv = dinv_ref[...]
        zsum = za_ref[...] + zb_ref[...] + y_ref[...]
        h4 = jax.nn.relu(dinv * zsum + b2_ref[...] + h3_ref[...])
        h5 = jax.nn.relu(_leaky(_dot(h4, s2W_ref[...]) + s2b_ref[...]) + h4)
        h6 = jax.nn.relu(h5 + _dot(h5, skW_ref[...]) + skb_ref[...])
        bn2 = (h6 - m2_ref[...]) * lax.rsqrt(v2_ref[...] + 1e-5) * g2_ref[...] \
            + be2_ref[...]
        out_ref[...] = jax.nn.relu(bn2 + h6)

    out = pl.pallas_call(
        tc_d_body,
        grid=grid,
        in_specs=[row_spec, row_spec, row_spec, row_spec, col_spec,
                  p_spec, w_spec, p_spec, w_spec, p_spec,
                  p_spec, p_spec, p_spec, p_spec],
        out_specs=row_spec,
        out_shape=jax.ShapeDtypeStruct((n, d), jnp.float32),
    )(z2a, z2b, y2, h3, dinv,
      b2.reshape(1, d), s2W, s2b.reshape(1, d), skW, skb.reshape(1, d),
      g2.reshape(1, d), be2.reshape(1, d), m2.reshape(1, d), v2.reshape(1, d))

    return out

# --- scband reference (transcript-rebuilt; emitter-appended) ---
"""Pipeline reference for scband-custom-gcn-21268678050245 (READ-ONLY COPY).

The authoritative reference and input builder live on the scoring server;
editing this copy changes nothing except your own understanding.
"""

import jax, jax.numpy as jnp
import numpy as np

N = 10000
E = 320000
D = 128

def _leaky(x):
    return jnp.where(x >= 0, x, 0.01 * x)

def _gcn(x, ei, W, b, n):
    xw = x @ W
    loop = jnp.arange(n, dtype=ei.dtype)
    src = jnp.concatenate([ei[0], loop])
    dst = jnp.concatenate([ei[1], loop])
    deg = jax.ops.segment_sum(jnp.ones_like(dst, dtype=xw.dtype), dst, num_segments=n)
    dinv = jnp.where(deg > 0, jax.lax.rsqrt(deg), 0.0)
    norm = dinv[src] * dinv[dst]
    msg = xw[src] * norm[:, None]
    return jax.ops.segment_sum(msg, dst, num_segments=n) + b

def _bn(x, g, b, m, v):
    return (x - m) * jax.lax.rsqrt(v + 1e-5) * g + b

def setup_inputs(seed: int = 0) -> dict:
    key = jax.random.key(seed)
    ks = jax.random.split(key, 8)
    scale = 0.05
    inp = {}
    inp['x'] = jax.random.normal(ks[0], (N, D), dtype=jnp.float32)
    inp['edge_index'] = jax.random.randint(ks[1], (2, E), 0, N, dtype=jnp.int32)
    inp['W1'] = jax.random.normal(ks[2], (D, D), dtype=jnp.float32) * scale
    inp['b1'] = jnp.zeros((D,), dtype=jnp.float32)
    inp['s1W'] = jax.random.normal(ks[3], (D, D), dtype=jnp.float32) * scale
    inp['s1b'] = jnp.zeros((D,), dtype=jnp.float32)
    inp['g1'] = jnp.ones((D,), dtype=jnp.float32)
    inp['be1'] = jnp.zeros((D,), dtype=jnp.float32)
    inp['m1'] = jnp.zeros((D,), dtype=jnp.float32)
    inp['v1'] = jnp.ones((D,), dtype=jnp.float32)
    inp['W2'] = jax.random.normal(ks[4], (D, D), dtype=jnp.float32) * scale
    inp['b2'] = jnp.zeros((D,), dtype=jnp.float32)
    inp['s2W'] = jax.random.normal(ks[5], (D, D), dtype=jnp.float32) * scale
    inp['s2b'] = jnp.zeros((D,), dtype=jnp.float32)
    inp['skW'] = jax.random.normal(ks[6], (D, D), dtype=jnp.float32) * scale
    inp['skb'] = jnp.zeros((D,), dtype=jnp.float32)
    inp['g2'] = jnp.ones((D,), dtype=jnp.float32)
    inp['be2'] = jnp.zeros((D,), dtype=jnp.float32)
    inp['m2'] = jnp.zeros((D,), dtype=jnp.float32)
    inp['v2'] = jnp.ones((D,), dtype=jnp.float32)
    return inp

def reference(x, edge_index, W1, b1, s1W, s1b, g1, be1, m1, v1, W2, b2, s2W, s2b, skW, skb, g2, be2, m2, v2):
    n = x.shape[0]
    xs = x
    # layer 1: GCNConv -> residual+relu
    x = _gcn(x, edge_index, W1, b1, n)
    x = jax.nn.relu(x + xs); xs = x
    # layer 2: ff (Linear -> LeakyReLU -> Dropout(eval)) -> residual+relu
    x = _leaky(x @ s1W + s1b)
    x = jax.nn.relu(x + xs); xs = x
    # layer 3: BatchNorm1d (eval) -> residual+relu
    x = _bn(x, g1, be1, m1, v1)
    x = jax.nn.relu(x + xs); xs = x
    # layer 4: GCNConv -> residual+relu
    x = _gcn(x, edge_index, W2, b2, n)
    x = jax.nn.relu(x + xs); xs = x
    # layer 5: ff -> residual+relu
    x = _leaky(x @ s2W + s2b)
    x = jax.nn.relu(x + xs); xs = x
    # layer 6: skip Linear transforms x_skip only, then residual+relu still runs
    xs = xs @ skW + skb
    x = jax.nn.relu(x + xs); xs = x
    # layer 7: BatchNorm1d (eval) -> residual+relu
    x = _bn(x, g2, be2, m2, v2)
    x = jax.nn.relu(x + xs)
    return x

if __name__ == "__main__":
    import jax
    _d = setup_inputs()
    print(jax.jit(kernel)(*tuple(_d.values())))

</pallas_src>

<mosaic_0001>
#map = affine_map<(d0, d1) -> (0, 0, 0, 0)>
#map1 = affine_map<(d0, d1) -> (0)>
#map2 = affine_map<(d0, d1) -> (0, 0)>
module attributes {stable_mosaic.version = 14 : i64} {
  func.func @deg_kernel(%arg0: i32, %arg1: i32, %arg2: memref<2x16x79x128xi32, #tpu.memory_space<hbm>>, %arg3: memref<128xf32, #tpu.memory_space<hbm>>, %arg4: memref<640xf32, #tpu.memory_space<hbm>>, %arg5: memref<2x10240xf32, #tpu.memory_space<hbm>>, %arg6: memref<79x128xi32, #tpu.memory_space<vmem>>, %arg7: memref<128xf32, #tpu.memory_space<vmem>>, %arg8: memref<10240xf32, #tpu.memory_space<vmem_shared>>) attributes {dimension_semantics = [#tpu.dimension_semantics<core_parallel>, #tpu.dimension_semantics<subcore_parallel>], iteration_bounds = array<i64: 2, 16>, scalar_prefetch = 0 : i64, scratch_operands = 3 : i64, tpu.core_type = #tpu.core_type<sc_vector_subcore>, window_params = [{transform_indices = #map}, {transform_indices = #map1}, {transform_indices = #map1}, {transform_indices = #map2}]} {
    %mul3A = arith.constant 640 : i32
    %mul3A_0 = arith.muli %arg1, %mul3A : i32
    "tpu.region"() ({
      %run_scoped3A = tpu.sem_alloc : memref<!tpu.dma_semaphore, #tpu.memory_space<semaphore_mem>>
      %dma_start3A = tpu.memref_slice %arg8[%mul3A_0] : memref<10240xf32, #tpu.memory_space<vmem_shared>> -> memref<640xf32, #tpu.memory_space<vmem_shared>>
      tpu.enqueue_dma source(%arg4 : memref<640xf32, #tpu.memory_space<hbm>>) target(%dma_start3A : memref<640xf32, #tpu.memory_space<vmem_shared>>) target_semaphore(%run_scoped3A : memref<!tpu.dma_semaphore, #tpu.memory_space<semaphore_mem>>)
      %dma_wait3A = tpu.memref_slice %arg8[%mul3A_0] : memref<10240xf32, #tpu.memory_space<vmem_shared>> -> memref<640xf32, #tpu.memory_space<vmem_shared>>
      tpu.wait_dma2 semaphore(%run_scoped3A : memref<!tpu.dma_semaphore, #tpu.memory_space<semaphore_mem>>) src(%arg4 : memref<640xf32, #tpu.memory_space<hbm>>) dst(%dma_wait3A : memref<640xf32, #tpu.memory_space<vmem_shared>>)
      tpu.yield
    }) : () -> ()
    "tpu.region"() ({
      %run_scoped3A = tpu.sem_alloc : memref<!tpu.dma_semaphore, #tpu.memory_space<semaphore_mem>>
      tpu.enqueue_dma source(%arg3 : memref<128xf32, #tpu.memory_space<hbm>>) target(%arg7 : memref<128xf32, #tpu.memory_space<vmem>>) target_semaphore(%run_scoped3A : memref<!tpu.dma_semaphore, #tpu.memory_space<semaphore_mem>>)
      tpu.wait_dma2 semaphore(%run_scoped3A : memref<!tpu.dma_semaphore, #tpu.memory_space<semaphore_mem>>) src(%arg3 : memref<128xf32, #tpu.memory_space<hbm>>) dst(%arg7 : memref<128xf32, #tpu.memory_space<vmem>>)
      tpu.yield
    }) : () -> ()
    "tpu.region"() ({
      %run_scoped3A = tpu.sem_alloc : memref<!tpu.dma_semaphore, #tpu.memory_space<semaphore_mem>>
      %dma_start3A = arith.constant 0 : i32
      %dma_start3A_7 = arith.constant 0 : i32
      %dma_start3A_8 = tpu.memref_slice %arg2[%arg0, %arg1, %dma_start3A, %dma_start3A_7] : memref<2x16x79x128xi32, #tpu.memory_space<hbm>> -> memref<1x1x79x128xi32, #tpu.memory_space<hbm>>
      %dma_start3A_9 = tpu.memref_squeeze %dma_start3A_8 : memref<1x1x79x128xi32, #tpu.memory_space<hbm>> -> memref<79x128xi32, #tpu.memory_space<hbm>>
      %dma_start3A_10 = arith.constant 0 : i32
      %dma_start3A_11 = arith.constant 0 : i32
      %dma_start3A_12 = tpu.memref_slice %arg2[%arg0, %arg1, %dma_start3A_10, %dma_start3A_11] : memref<2x16x79x128xi32, #tpu.memory_space<hbm>> -> memref<1x1x79x128xi32, #tpu.memory_space<hbm>>
      %dma_start3A_13 = tpu.memref_squeeze %dma_start3A_12 : memref<1x1x79x128xi32, #tpu.memory_space<hbm>> -> memref<79x128xi32, #tpu.memory_space<hbm>>
      tpu.enqueue_dma source(%dma_start3A_13 : memref<79x128xi32, #tpu.memory_space<hbm>>) target(%arg6 : memref<79x128xi32, #tpu.memory_space<vmem>>) target_semaphore(%run_scoped3A : memref<!tpu.dma_semaphore, #tpu.memory_space<semaphore_mem>>)
      %dma_wait3A = arith.constant 0 : i32
      %dma_wait3A_14 = arith.constant 0 : i32
      %dma_wait3A_15 = tpu.memref_slice %arg2[%arg0, %arg1, %dma_wait3A, %dma_wait3A_14] : memref<2x16x79x128xi32, #tpu.memory_space<hbm>> -> memref<1x1x79x128xi32, #tpu.memory_space<hbm>>
      %dma_wait3A_16 = tpu.memref_squeeze %dma_wait3A_15 : memref<1x1x79x128xi32, #tpu.memory_space<hbm>> -> memref<79x128xi32, #tpu.memory_space<hbm>>
      %dma_wait3A_17 = arith.constant 0 : i32
      %dma_wait3A_18 = arith.constant 0 : i32
      %dma_wait3A_19 = tpu.memref_slice %arg2[%arg0, %arg1, %dma_wait3A_17, %dma_wait3A_18] : memref<2x16x79x128xi32, #tpu.memory_space<hbm>> -> memref<1x1x79x128xi32, #tpu.memory_space<hbm>>
      %dma_wait3A_20 = tpu.memref_squeeze %dma_wait3A_19 : memref<1x1x79x128xi32, #tpu.memory_space<hbm>> -> memref<79x128xi32, #tpu.memory_space<hbm>>
      tpu.wait_dma2 semaphore(%run_scoped3A : memref<!tpu.dma_semaphore, #tpu.memory_space<semaphore_mem>>) src(%dma_wait3A_20 : memref<79x128xi32, #tpu.memory_space<hbm>>) dst(%arg6 : memref<79x128xi32, #tpu.memory_space<vmem>>)
      tpu.yield
    }) : () -> ()
    %barrier3A = arith.constant 0 : index
    tpu.barrier barrier_id(%barrier3A)
    %scan3A = arith.constant 0 : i32
    %scan3A_1 = arith.constant 0 : i32
    %scan3A_2 = arith.constant 79 : i32
    %scan3A_3 = arith.addi %scan3A_1, %scan3A_2 : i32
    %scan3A_4 = arith.constant 1 : i32
    scf.for %scan3A_7 = %scan3A_1 to %scan3A_3 step %scan3A_4  : i32 {
      "tpu.region"() ({
        %run_scoped3A = tpu.sem_alloc : memref<!tpu.dma_semaphore, #tpu.memory_space<semaphore_mem>>
        %dma_start3A = arith.constant 0 : i32
        %dma_start3A_8 = tpu.memref_slice %arg6[%scan3A_7, %dma_start3A] : memref<79x128xi32, #tpu.memory_space<vmem>> -> memref<1x128xi32, #tpu.memory_space<vmem>>
        %dma_start3A_9 = tpu.memref_squeeze %dma_start3A_8 : memref<1x128xi32, #tpu.memory_space<vmem>> -> memref<128xi32, #tpu.memory_space<vmem>>
        %dma_start3A_10 = arith.constant 0 : i32
        %dma_start3A_11 = tpu.memref_slice %arg8[%dma_start3A_10] : memref<10240xf32, #tpu.memory_space<vmem_shared>> -> memref<10240xf32, #tpu.memory_space<vmem_shared>>
        tpu.enqueue_indirect_dma source(%arg7 : memref<128xf32, #tpu.memory_space<vmem>>) target(%dma_start3A_11 : memref<10240xf32, #tpu.memory_space<vmem_shared>>) offsets(%dma_start3A_9 : memref<128xi32, #tpu.memory_space<vmem>>) semaphore(%run_scoped3A : memref<!tpu.dma_semaphore, #tpu.memory_space<semaphore_mem>>) {add = true}
        %dma_wait3A = arith.constant 0 : i32
        %dma_wait3A_12 = tpu.memref_slice %arg6[%scan3A_7, %dma_wait3A] : memref<79x128xi32, #tpu.memory_space<vmem>> -> memref<1x128xi32, #tpu.memory_space<vmem>>
        %dma_wait3A_13 = tpu.memref_squeeze %dma_wait3A_12 : memref<1x128xi32, #tpu.memory_space<vmem>> -> memref<128xi32, #tpu.memory_space<vmem>>
        %dma_wait3A_14 = arith.constant 0 : i32
        %dma_wait3A_15 = tpu.memref_slice %arg8[%dma_wait3A_14] : memref<10240xf32, #tpu.memory_space<vmem_shared>> -> memref<10240xf32, #tpu.memory_space<vmem_shared>>
        tpu.wait_indirect_dma semaphore(%run_scoped3A : memref<!tpu.dma_semaphore, #tpu.memory_space<semaphore_mem>>) src(%arg7 : memref<128xf32, #tpu.memory_space<vmem>>) dst(%dma_wait3A_15 : memref<10240xf32, #tpu.memory_space<vmem_shared>>)
        tpu.yield
      }) : () -> ()
    }
    %scan3A_5 = arith.constant 79 : i32
    %barrier3A_6 = arith.constant 0 : index
    tpu.barrier barrier_id(%barrier3A_6)
    "tpu.region"() ({
      %run_scoped3A = tpu.sem_alloc : memref<!tpu.dma_semaphore, #tpu.memory_space<semaphore_mem>>
      %dma_start3A = tpu.memref_slice %arg5[%arg0, %mul3A_0] : memref<2x10240xf32, #tpu.memory_space<hbm>> -> memref<1x640xf32, #tpu.memory_space<hbm>>
      %dma_start3A_7 = tpu.memref_squeeze %dma_start3A : memref<1x640xf32, #tpu.memory_space<hbm>> -> memref<640xf32, #tpu.memory_space<hbm>>
      %dma_start3A_8 = tpu.memref_slice %arg8[%mul3A_0] : memref<10240xf32, #tpu.memory_space<vmem_shared>> -> memref<640xf32, #tpu.memory_space<vmem_shared>>
      tpu.enqueue_dma source(%dma_start3A_8 : memref<640xf32, #tpu.memory_space<vmem_shared>>) target(%dma_start3A_7 : memref<640xf32, #tpu.memory_space<hbm>>) target_semaphore(%run_scoped3A : memref<!tpu.dma_semaphore, #tpu.memory_space<semaphore_mem>>)
      %dma_wait3A = tpu.memref_slice %arg5[%arg0, %mul3A_0] : memref<2x10240xf32, #tpu.memory_space<hbm>> -> memref<1x640xf32, #tpu.memory_space<hbm>>
      %dma_wait3A_9 = tpu.memref_squeeze %dma_wait3A : memref<1x640xf32, #tpu.memory_space<hbm>> -> memref<640xf32, #tpu.memory_space<hbm>>
      %dma_wait3A_10 = tpu.memref_slice %arg8[%mul3A_0] : memref<10240xf32, #tpu.memory_space<vmem_shared>> -> memref<640xf32, #tpu.memory_space<vmem_shared>>
      tpu.wait_dma2 semaphore(%run_scoped3A : memref<!tpu.dma_semaphore, #tpu.memory_space<semaphore_mem>>) src(%dma_wait3A_10 : memref<640xf32, #tpu.memory_space<vmem_shared>>) dst(%dma_wait3A_9 : memref<640xf32, #tpu.memory_space<hbm>>)
      tpu.yield
    }) : () -> ()
    return
  }
}

#map = affine_map<(d0, d1) -> (0, 0)>
#map1 = affine_map<(d0, d1) -> (0, 0, 0, 0, 0)>
#map2 = affine_map<(d0, d1) -> (0, 0, 0)>
module attributes {stable_mosaic.version = 14 : i64} {
  func.func @scatter_kernel(%arg0: i32, %arg1: i32, %arg2: memref<10000x128xf32, #tpu.memory_space<hbm>>, %arg3: memref<2x16x79x2x128xi32, #tpu.memory_space<hbm>>, %arg4: memref<640x128xf32, #tpu.memory_space<hbm>>, %arg5: memref<2x10240x128xf32, #tpu.memory_space<hbm>>, %arg6: memref<2x2x128xi32, #tpu.memory_space<vmem>>, %arg7: memref<2x128x128xf32, #tpu.memory_space<vmem>>, %arg8: memref<10240x128xf32, #tpu.memory_space<vmem_shared>>, %arg9: memref<2x!tpu.dma_semaphore, #tpu.memory_space<semaphore_mem>>, %arg10: memref<2x!tpu.dma_semaphore, #tpu.memory_space<semaphore_mem>>) attributes {dimension_semantics = [#tpu.dimension_semantics<core_parallel>, #tpu.dimension_semantics<subcore_parallel>], iteration_bounds = array<i64: 2, 16>, scalar_prefetch = 0 : i64, scratch_operands = 5 : i64, tpu.core_type = #tpu.core_type<sc_vector_subcore>, window_params = [{transform_indices = #map}, {transform_indices = #map1}, {transform_indices = #map}, {transform_indices = #map2}]} {
    %mul3A = arith.constant 640 : i32
    %mul3A_0 = arith.muli %arg1, %mul3A : i32
    "tpu.region"() ({
      %run_scoped3A_44 = tpu.sem_alloc : memref<!tpu.dma_semaphore, #tpu.memory_space<semaphore_mem>>
      %dma_start3A_45 = arith.constant 0 : i32
      %dma_start3A_46 = tpu.memref_slice %arg8[%mul3A_0, %dma_start3A_45] : memref<10240x128xf32, #tpu.memory_space<vmem_shared>> -> memref<640x128xf32, #tpu.memory_space<vmem_shared>>
      tpu.enqueue_dma source(%arg4 : memref<640x128xf32, #tpu.memory_space<hbm>>) target(%dma_start3A_46 : memref<640x128xf32, #tpu.memory_space<vmem_shared>>) target_semaphore(%run_scoped3A_44 : memref<!tpu.dma_semaphore, #tpu.memory_space<semaphore_mem>>)
      %dma_wait3A = arith.constant 0 : i32
      %dma_wait3A_47 = tpu.memref_slice %arg8[%mul3A_0, %dma_wait3A] : memref<10240x128xf32, #tpu.memory_space<vmem_shared>> -> memref<640x128xf32, #tpu.memory_space<vmem_shared>>
      tpu.wait_dma2 semaphore(%run_scoped3A_44 : memref<!tpu.dma_semaphore, #tpu.memory_space<semaphore_mem>>) src(%arg4 : memref<640x128xf32, #tpu.memory_space<hbm>>) dst(%dma_wait3A_47 : memref<640x128xf32, #tpu.memory_space<vmem_shared>>)
      tpu.yield
    }) : () -> ()
    %barrier3A = arith.constant 0 : index
    tpu.barrier barrier_id(%barrier3A)
    %run_scoped3A = arith.constant 0 : i32
    %run_scoped3A_1 = arith.constant 0 : i32
    "tpu.region"() ({
      %run_scoped3A_44 = tpu.sem_alloc : memref<!tpu.dma_semaphore, #tpu.memory_space<semaphore_mem>>
      %dma_start3A_45 = arith.constant 0 : i32
      %dma_start3A_46 = arith.constant 0 : i32
      %dma_start3A_47 = tpu.memref_slice %arg6[%run_scoped3A_1, %dma_start3A_45, %dma_start3A_46] : memref<2x2x128xi32, #tpu.memory_space<vmem>> -> memref<1x2x128xi32, #tpu.memory_space<vmem>>
      %dma_start3A_48 = tpu.memref_squeeze %dma_start3A_47 : memref<1x2x128xi32, #tpu.memory_space<vmem>> -> memref<2x128xi32, #tpu.memory_space<vmem>>
      %dma_start3A_49 = arith.constant 0 : i32
      %dma_start3A_50 = arith.constant 0 : i32
      %dma_start3A_51 = tpu.memref_slice %arg3[%arg0, %arg1, %run_scoped3A, %dma_start3A_49, %dma_start3A_50] : memref<2x16x79x2x128xi32, #tpu.memory_space<hbm>> -> memref<1x1x1x2x128xi32, #tpu.memory_space<hbm>>
      %dma_start3A_52 = tpu.memref_squeeze %dma_start3A_51 : memref<1x1x1x2x128xi32, #tpu.memory_space<hbm>> -> memref<2x128xi32, #tpu.memory_space<hbm>>
      %dma_start3A_53 = arith.constant 0 : i32
      %dma_start3A_54 = arith.constant 0 : i32
      %dma_start3A_55 = tpu.memref_slice %arg6[%run_scoped3A_1, %dma_start3A_53, %dma_start3A_54] : memref<2x2x128xi32, #tpu.memory_space<vmem>> -> memref<1x2x128xi32, #tpu.memory_space<vmem>>
      %dma_start3A_56 = tpu.memref_squeeze %dma_start3A_55 : memref<1x2x128xi32, #tpu.memory_space<vmem>> -> memref<2x128xi32, #tpu.memory_space<vmem>>
      %dma_start3A_57 = arith.constant 0 : i32
      %dma_start3A_58 = arith.constant 0 : i32
      %dma_start3A_59 = tpu.memref_slice %arg3[%arg0, %arg1, %run_scoped3A, %dma_start3A_57, %dma_start3A_58] : memref<2x16x79x2x128xi32, #tpu.memory_space<hbm>> -> memref<1x1x1x2x128xi32, #tpu.memory_space<hbm>>
      %dma_start3A_60 = tpu.memref_squeeze %dma_start3A_59 : memref<1x1x1x2x128xi32, #tpu.memory_space<hbm>> -> memref<2x128xi32, #tpu.memory_space<hbm>>
      tpu.enqueue_dma source(%dma_start3A_60 : memref<2x128xi32, #tpu.memory_space<hbm>>) target(%dma_start3A_56 : memref<2x128xi32, #tpu.memory_space<vmem>>) target_semaphore(%run_scoped3A_44 : memref<!tpu.dma_semaphore, #tpu.memory_space<semaphore_mem>>)
      %dma_wait3A = arith.constant 0 : i32
      %dma_wait3A_61 = arith.constant 0 : i32
      %dma_wait3A_62 = tpu.memref_slice %arg6[%run_scoped3A_1, %dma_wait3A, %dma_wait3A_61] : memref<2x2x128xi32, #tpu.memory_space<vmem>> -> memref<1x2x128xi32, #tpu.memory_space<vmem>>
      %dma_wait3A_63 = tpu.memref_squeeze %dma_wait3A_62 : memref<1x2x128xi32, #tpu.memory_space<vmem>> -> memref<2x128xi32, #tpu.memory_space<vmem>>
      %dma_wait3A_64 = arith.constant 0 : i32
      %dma_wait3A_65 = arith.constant 0 : i32
      %dma_wait3A_66 = tpu.memref_slice %arg3[%arg0, %arg1, %run_scoped3A, %dma_wait3A_64, %dma_wait3A_65] : memref<2x16x79x2x128xi32, #tpu.memory_space<hbm>> -> memref<1x1x1x2x128xi32, #tpu.memory_space<hbm>>
      %dma_wait3A_67 = tpu.memref_squeeze %dma_wait3A_66 : memref<1x1x1x2x128xi32, #tpu.memory_space<hbm>> -> memref<2x128xi32, #tpu.memory_space<hbm>>
      %dma_wait3A_68 = arith.constant 0 : i32
      %dma_wait3A_69 = arith.constant 0 : i32
      %dma_wait3A_70 = tpu.memref_slice %arg6[%run_scoped3A_1, %dma_wait3A_68, %dma_wait3A_69] : memref<2x2x128xi32, #tpu.memory_space<vmem>> -> memref<1x2x128xi32, #tpu.memory_space<vmem>>
      %dma_wait3A_71 = tpu.memref_squeeze %dma_wait3A_70 : memref<1x2x128xi32, #tpu.memory_space<vmem>> -> memref<2x128xi32, #tpu.memory_space<vmem>>
      %dma_wait3A_72 = arith.constant 0 : i32
      %dma_wait3A_73 = arith.constant 0 : i32
      %dma_wait3A_74 = tpu.memref_slice %arg3[%arg0, %arg1, %run_scoped3A, %dma_wait3A_72, %dma_wait3A_73] : memref<2x16x79x2x128xi32, #tpu.memory_space<hbm>> -> memref<1x1x1x2x128xi32, #tpu.memory_space<hbm>>
      %dma_wait3A_75 = tpu.memref_squeeze %dma_wait3A_74 : memref<1x1x1x2x128xi32, #tpu.memory_space<hbm>> -> memref<2x128xi32, #tpu.memory_space<hbm>>
      tpu.wait_dma2 semaphore(%run_scoped3A_44 : memref<!tpu.dma_semaphore, #tpu.memory_space<semaphore_mem>>) src(%dma_wait3A_75 : memref<2x128xi32, #tpu.memory_space<hbm>>) dst(%dma_wait3A_71 : memref<2x128xi32, #tpu.memory_space<vmem>>)
      tpu.yield
    }) : () -> ()
    %dma_start3A = arith.constant 0 : i32
    %dma_start3A_2 = arith.constant 0 : i32
    %dma_start3A_3 = arith.constant 0 : i32
    %dma_start3A_4 = arith.constant 0 : i32
    %dma_start3A_5 = arith.constant 0 : i32
    %dma_start3A_6 = arith.constant 0 : i32
    %dma_start3A_7 = tpu.memref_slice %arg7[%dma_start3A_3, %dma_start3A_5, %dma_start3A_6] : memref<2x128x128xf32, #tpu.memory_space<vmem>> -> memref<1x128x128xf32, #tpu.memory_space<vmem>>
    %dma_start3A_8 = tpu.memref_squeeze %dma_start3A_7 : memref<1x128x128xf32, #tpu.memory_space<vmem>> -> memref<128x128xf32, #tpu.memory_space<vmem>>
    %dma_start3A_9 = arith.constant 0 : i32
    %dma_start3A_10 = tpu.memref_slice %arg6[%dma_start3A, %dma_start3A_2, %dma_start3A_9] : memref<2x2x128xi32, #tpu.memory_space<vmem>> -> memref<1x1x128xi32, #tpu.memory_space<vmem>>
    %dma_start3A_11 = tpu.memref_squeeze %dma_start3A_10 : memref<1x1x128xi32, #tpu.memory_space<vmem>> -> memref<128xi32, #tpu.memory_space<vmem>>
    %dma_start3A_12 = arith.constant 0 : i32
    %dma_start3A_13 = arith.constant 0 : i32
    %dma_start3A_14 = tpu.memref_slice %arg2[%dma_start3A_12, %dma_start3A_13] : memref<10000x128xf32, #tpu.memory_space<hbm>> -> memref<10000x128xf32, #tpu.memory_space<hbm>>
    %dma_start3A_15 = tpu.memref_slice %arg9[%dma_start3A_4] : memref<2x!tpu.dma_semaphore, #tpu.memory_space<semaphore_mem>> -> memref<1x!tpu.dma_semaphore, #tpu.memory_space<semaphore_mem>>
    %dma_start3A_16 = tpu.memref_squeeze %dma_start3A_15 : memref<1x!tpu.dma_semaphore, #tpu.memory_space<semaphore_mem>> -> memref<!tpu.dma_semaphore, #tpu.memory_space<semaphore_mem>>
    tpu.enqueue_indirect_dma source(%dma_start3A_14 : memref<10000x128xf32, #tpu.memory_space<hbm>>) target(%dma_start3A_8 : memref<128x128xf32, #tpu.memory_space<vmem>>) offsets(%dma_start3A_11 : memref<128xi32, #tpu.memory_space<vmem>>) semaphore(%dma_start3A_16 : memref<!tpu.dma_semaphore, #tpu.memory_space<semaphore_mem>>)
    %dma_start3A_17 = arith.constant 1 : i32
    %dma_start3A_18 = arith.constant 1 : i32
    %dma_start3A_19 = arith.constant 1 : i32
    %dma_start3A_20 = arith.constant 0 : i32
    %dma_start3A_21 = arith.constant 0 : i32
    %dma_start3A_22 = tpu.memref_slice %arg6[%dma_start3A_18, %dma_start3A_20, %dma_start3A_21] : memref<2x2x128xi32, #tpu.memory_space<vmem>> -> memref<1x2x128xi32, #tpu.memory_space<vmem>>
    %dma_start3A_23 = tpu.memref_squeeze %dma_start3A_22 : memref<1x2x128xi32, #tpu.memory_space<vmem>> -> memref<2x128xi32, #tpu.memory_space<vmem>>
    %dma_start3A_24 = arith.constant 0 : i32
    %dma_start3A_25 = arith.constant 0 : i32
    %dma_start3A_26 = tpu.memref_slice %arg3[%arg0, %arg1, %dma_start3A_17, %dma_start3A_24, %dma_start3A_25] : memref<2x16x79x2x128xi32, #tpu.memory_space<hbm>> -> memref<1x1x1x2x128xi32, #tpu.memory_space<hbm>>
    %dma_start3A_27 = tpu.memref_squeeze %dma_start3A_26 : memref<1x1x1x2x128xi32, #tpu.memory_space<hbm>> -> memref<2x128xi32, #tpu.memory_space<hbm>>
    %dma_start3A_28 = tpu.memref_slice %arg10[%dma_start3A_19] : memref<2x!tpu.dma_semaphore, #tpu.memory_space<semaphore_mem>> -> memref<1x!tpu.dma_semaphore, #tpu.memory_space<semaphore_mem>>
    %dma_start3A_29 = tpu.memref_squeeze %dma_start3A_28 : memref<1x!tpu.dma_semaphore, #tpu.memory_space<semaphore_mem>> -> memref<!tpu.dma_semaphore, #tpu.memory_space<semaphore_mem>>
    %dma_start3A_30 = arith.constant 0 : i32
    %dma_start3A_31 = arith.constant 0 : i32
    %dma_start3A_32 = tpu.memref_slice %arg6[%dma_start3A_18, %dma_start3A_30, %dma_start3A_31] : memref<2x2x128xi32, #tpu.memory_space<vmem>> -> memref<1x2x128xi32, #tpu.memory_space<vmem>>
    %dma_start3A_33 = tpu.memref_squeeze %dma_start3A_32 : memref<1x2x128xi32, #tpu.memory_space<vmem>> -> memref<2x128xi32, #tpu.memory_space<vmem>>
    %dma_start3A_34 = arith.constant 0 : i32
    %dma_start3A_35 = arith.constant 0 : i32
    %dma_start3A_36 = tpu.memref_slice %arg3[%arg0, %arg1, %dma_start3A_17, %dma_start3A_34, %dma_start3A_35] : memref<2x16x79x2x128xi32, #tpu.memory_space<hbm>> -> memref<1x1x1x2x128xi32, #tpu.memory_space<hbm>>
    %dma_start3A_37 = tpu.memref_squeeze %dma_start3A_36 : memref<1x1x1x2x128xi32, #tpu.memory_space<hbm>> -> memref<2x128xi32, #tpu.memory_space<hbm>>
    tpu.enqueue_dma source(%dma_start3A_37 : memref<2x128xi32, #tpu.memory_space<hbm>>) target(%dma_start3A_33 : memref<2x128xi32, #tpu.memory_space<vmem>>) target_semaphore(%dma_start3A_29 : memref<!tpu.dma_semaphore, #tpu.memory_space<semaphore_mem>>)
    %scan3A = arith.constant 0 : i32
    %scan3A_38 = arith.constant 0 : i32
    %scan3A_39 = arith.constant 79 : i32
    %scan3A_40 = arith.addi %scan3A_38, %scan3A_39 : i32
    %scan3A_41 = arith.constant 1 : i32
    scf.for %scan3A_44 = %scan3A_38 to %scan3A_40 step %scan3A_41  : i32 {
      %rem3A = arith.constant 2 : i32
      %rem3A_45 = arith.remsi %scan3A_44, %rem3A : i32
      %sub3A = arith.constant 1 : i32
      %sub3A_46 = arith.subi %sub3A, %rem3A_45 : i32
      %add3A = arith.constant 1 : i32
      %add3A_47 = arith.addi %scan3A_44, %add3A : i32
      %lt3A = arith.constant 79 : i32
      %lt3A_48 = arith.cmpi slt, %add3A_47, %lt3A : i32
      %convert_element_type3A = arith.extui %lt3A_48 : i1 to i32
      %cond3A = arith.constant 0 : i32
      %cond3A_49 = arith.cmpi ne, %convert_element_type3A, %cond3A : i32
      scf.if %cond3A_49 {
        %dma_wait3A_70 = arith.constant 0 : i32
        %dma_wait3A_71 = arith.constant 0 : i32
        %dma_wait3A_72 = arith.constant 0 : i32
        %dma_wait3A_73 = tpu.memref_slice %arg6[%sub3A_46, %dma_wait3A_71, %dma_wait3A_72] : memref<2x2x128xi32, #tpu.memory_space<vmem>> -> memref<1x2x128xi32, #tpu.memory_space<vmem>>
        %dma_wait3A_74 = tpu.memref_squeeze %dma_wait3A_73 : memref<1x2x128xi32, #tpu.memory_space<vmem>> -> memref<2x128xi32, #tpu.memory_space<vmem>>
        %dma_wait3A_75 = arith.constant 0 : i32
        %dma_wait3A_76 = arith.constant 0 : i32
        %dma_wait3A_77 = tpu.memref_slice %arg3[%arg0, %arg1, %dma_wait3A_70, %dma_wait3A_75, %dma_wait3A_76] : memref<2x16x79x2x128xi32, #tpu.memory_space<hbm>> -> memref<1x1x1x2x128xi32, #tpu.memory_space<hbm>>
        %dma_wait3A_78 = tpu.memref_squeeze %dma_wait3A_77 : memref<1x1x1x2x128xi32, #tpu.memory_space<hbm>> -> memref<2x128xi32, #tpu.memory_space<hbm>>
        %dma_wait3A_79 = tpu.memref_slice %arg10[%sub3A_46] : memref<2x!tpu.dma_semaphore, #tpu.memory_space<semaphore_mem>> -> memref<1x!tpu.dma_semaphore, #tpu.memory_space<semaphore_mem>>
        %dma_wait3A_80 = tpu.memref_squeeze %dma_wait3A_79 : memref<1x!tpu.dma_semaphore, #tpu.memory_space<semaphore_mem>> -> memref<!tpu.dma_semaphore, #tpu.memory_space<semaphore_mem>>
        %dma_wait3A_81 = arith.constant 0 : i32
        %dma_wait3A_82 = arith.constant 0 : i32
        %dma_wait3A_83 = tpu.memref_slice %arg6[%sub3A_46, %dma_wait3A_81, %dma_wait3A_82] : memref<2x2x128xi32, #tpu.memory_space<vmem>> -> memref<1x2x128xi32, #tpu.memory_space<vmem>>
        %dma_wait3A_84 = tpu.memref_squeeze %dma_wait3A_83 : memref<1x2x128xi32, #tpu.memory_space<vmem>> -> memref<2x128xi32, #tpu.memory_space<vmem>>
        %dma_wait3A_85 = arith.constant 0 : i32
        %dma_wait3A_86 = arith.constant 0 : i32
        %dma_wait3A_87 = tpu.memref_slice %arg3[%arg0, %arg1, %dma_wait3A_70, %dma_wait3A_85, %dma_wait3A_86] : memref<2x16x79x2x128xi32, #tpu.memory_space<hbm>> -> memref<1x1x1x2x128xi32, #tpu.memory_space<hbm>>
        %dma_wait3A_88 = tpu.memref_squeeze %dma_wait3A_87 : memref<1x1x1x2x128xi32, #tpu.memory_space<hbm>> -> memref<2x128xi32, #tpu.memory_space<hbm>>
        tpu.wait_dma2 semaphore(%dma_wait3A_80 : memref<!tpu.dma_semaphore, #tpu.memory_space<semaphore_mem>>) src(%dma_wait3A_88 : memref<2x128xi32, #tpu.memory_space<hbm>>) dst(%dma_wait3A_84 : memref<2x128xi32, #tpu.memory_space<vmem>>)
        %dma_start3A_89 = arith.constant 0 : i32
        %dma_start3A_90 = arith.constant 0 : i32
        %dma_start3A_91 = arith.constant 0 : i32
        %dma_start3A_92 = tpu.memref_slice %arg7[%sub3A_46, %dma_start3A_90, %dma_start3A_91] : memref<2x128x128xf32, #tpu.memory_space<vmem>> -> memref<1x128x128xf32, #tpu.memory_space<vmem>>
        %dma_start3A_93 = tpu.memref_squeeze %dma_start3A_92 : memref<1x128x128xf32, #tpu.memory_space<vmem>> -> memref<128x128xf32, #tpu.memory_space<vmem>>
        %dma_start3A_94 = arith.constant 0 : i32
        %dma_start3A_95 = tpu.memref_slice %arg6[%sub3A_46, %dma_start3A_89, %dma_start3A_94] : memref<2x2x128xi32, #tpu.memory_space<vmem>> -> memref<1x1x128xi32, #tpu.memory_space<vmem>>
        %dma_start3A_96 = tpu.memref_squeeze %dma_start3A_95 : memref<1x1x128xi32, #tpu.memory_space<vmem>> -> memref<128xi32, #tpu.memory_space<vmem>>
        %dma_start3A_97 = arith.constant 0 : i32
        %dma_start3A_98 = arith.constant 0 : i32
        %dma_start3A_99 = tpu.memref_slice %arg2[%dma_start3A_97, %dma_start3A_98] : memref<10000x128xf32, #tpu.memory_space<hbm>> -> memref<10000x128xf32, #tpu.memory_space<hbm>>
        %dma_start3A_100 = tpu.memref_slice %arg9[%sub3A_46] : memref<2x!tpu.dma_semaphore, #tpu.memory_space<semaphore_mem>> -> memref<1x!tpu.dma_semaphore, #tpu.memory_space<semaphore_mem>>
        %dma_start3A_101 = tpu.memref_squeeze %dma_start3A_100 : memref<1x!tpu.dma_semaphore, #tpu.memory_space<semaphore_mem>> -> memref<!tpu.dma_semaphore, #tpu.memory_space<semaphore_mem>>
        tpu.enqueue_indirect_dma source(%dma_start3A_99 : memref<10000x128xf32, #tpu.memory_space<hbm>>) target(%dma_start3A_93 : memref<128x128xf32, #tpu.memory_space<vmem>>) offsets(%dma_start3A_96 : memref<128xi32, #tpu.memory_space<vmem>>) semaphore(%dma_start3A_101 : memref<!tpu.dma_semaphore, #tpu.memory_space<semaphore_mem>>)
      } else {
      }
      %dma_wait3A = arith.constant 0 : i32
      %dma_wait3A_50 = arith.constant 0 : i32
      %dma_wait3A_51 = arith.constant 0 : i32
      %dma_wait3A_52 = tpu.memref_slice %arg7[%rem3A_45, %dma_wait3A_50, %dma_wait3A_51] : memref<2x128x128xf32, #tpu.memory_space<vmem>> -> memref<1x128x128xf32, #tpu.memory_space<vmem>>
      %dma_wait3A_53 = tpu.memref_squeeze %dma_wait3A_52 : memref<1x128x128xf32, #tpu.memory_space<vmem>> -> memref<128x128xf32, #tpu.memory_space<vmem>>
      %dma_wait3A_54 = arith.constant 0 : i32
      %dma_wait3A_55 = tpu.memref_slice %arg6[%rem3A_45, %dma_wait3A, %dma_wait3A_54] : memref<2x2x128xi32, #tpu.memory_space<vmem>> -> memref<1x1x128xi32, #tpu.memory_space<vmem>>
      %dma_wait3A_56 = tpu.memref_squeeze %dma_wait3A_55 : memref<1x1x128xi32, #tpu.memory_space<vmem>> -> memref<128xi32, #tpu.memory_space<vmem>>
      %dma_wait3A_57 = arith.constant 0 : i32
      %dma_wait3A_58 = arith.constant 0 : i32
      %dma_wait3A_59 = tpu.memref_slice %arg2[%dma_wait3A_57, %dma_wait3A_58] : memref<10000x128xf32, #tpu.memory_space<hbm>> -> memref<10000x128xf32, #tpu.memory_space<hbm>>
      %dma_wait3A_60 = tpu.memref_slice %arg9[%rem3A_45] : memref<2x!tpu.dma_semaphore, #tpu.memory_space<semaphore_mem>> -> memref<1x!tpu.dma_semaphore, #tpu.memory_space<semaphore_mem>>
      %dma_wait3A_61 = tpu.memref_squeeze %dma_wait3A_60 : memref<1x!tpu.dma_semaphore, #tpu.memory_space<semaphore_mem>> -> memref<!tpu.dma_semaphore, #tpu.memory_space<semaphore_mem>>
      tpu.wait_indirect_dma semaphore(%dma_wait3A_61 : memref<!tpu.dma_semaphore, #tpu.memory_space<semaphore_mem>>) src(%dma_wait3A_59 : memref<10000x128xf32, #tpu.memory_space<hbm>>) dst(%dma_wait3A_53 : memref<128x128xf32, #tpu.memory_space<vmem>>)
      %run_scoped3A_62 = arith.constant 1 : i32
      "tpu.region"() ({
        %run_scoped3A_70 = tpu.sem_alloc : memref<!tpu.dma_semaphore, #tpu.memory_space<semaphore_mem>>
        %dma_start3A_71 = arith.constant 0 : i32
        %dma_start3A_72 = arith.constant 0 : i32
        %dma_start3A_73 = tpu.memref_slice %arg7[%rem3A_45, %dma_start3A_71, %dma_start3A_72] : memref<2x128x128xf32, #tpu.memory_space<vmem>> -> memref<1x128x128xf32, #tpu.memory_space<vmem>>
        %dma_start3A_74 = tpu.memref_squeeze %dma_start3A_73 : memref<1x128x128xf32, #tpu.memory_space<vmem>> -> memref<128x128xf32, #tpu.memory_space<vmem>>
        %dma_start3A_75 = arith.constant 0 : i32
        %dma_start3A_76 = tpu.memref_slice %arg6[%rem3A_45, %run_scoped3A_62, %dma_start3A_75] : memref<2x2x128xi32, #tpu.memory_space<vmem>> -> memref<1x1x128xi32, #tpu.memory_space<vmem>>
        %dma_start3A_77 = tpu.memref_squeeze %dma_start3A_76 : memref<1x1x128xi32, #tpu.memory_space<vmem>> -> memref<128xi32, #tpu.memory_space<vmem>>
        %dma_start3A_78 = arith.constant 0 : i32
        %dma_start3A_79 = arith.constant 0 : i32
        %dma_start3A_80 = tpu.memref_slice %arg8[%dma_start3A_78, %dma_start3A_79] : memref<10240x128xf32, #tpu.memory_space<vmem_shared>> -> memref<10240x128xf32, #tpu.memory_space<vmem_shared>>
        tpu.enqueue_indirect_dma source(%dma_start3A_74 : memref<128x128xf32, #tpu.memory_space<vmem>>) target(%dma_start3A_80 : memref<10240x128xf32, #tpu.memory_space<vmem_shared>>) offsets(%dma_start3A_77 : memref<128xi32, #tpu.memory_space<vmem>>) semaphore(%run_scoped3A_70 : memref<!tpu.dma_semaphore, #tpu.memory_space<semaphore_mem>>) {add = true}
        %dma_wait3A_81 = arith.constant 0 : i32
        %dma_wait3A_82 = arith.constant 0 : i32
        %dma_wait3A_83 = tpu.memref_slice %arg7[%rem3A_45, %dma_wait3A_81, %dma_wait3A_82] : memref<2x128x128xf32, #tpu.memory_space<vmem>> -> memref<1x128x128xf32, #tpu.memory_space<vmem>>
        %dma_wait3A_84 = tpu.memref_squeeze %dma_wait3A_83 : memref<1x128x128xf32, #tpu.memory_space<vmem>> -> memref<128x128xf32, #tpu.memory_space<vmem>>
        %dma_wait3A_85 = arith.constant 0 : i32
        %dma_wait3A_86 = tpu.memref_slice %arg6[%rem3A_45, %run_scoped3A_62, %dma_wait3A_85] : memref<2x2x128xi32, #tpu.memory_space<vmem>> -> memref<1x1x128xi32, #tpu.memory_space<vmem>>
        %dma_wait3A_87 = tpu.memref_squeeze %dma_wait3A_86 : memref<1x1x128xi32, #tpu.memory_space<vmem>> -> memref<128xi32, #tpu.memory_space<vmem>>
        %dma_wait3A_88 = arith.constant 0 : i32
        %dma_wait3A_89 = arith.constant 0 : i32
        %dma_wait3A_90 = tpu.memref_slice %arg8[%dma_wait3A_88, %dma_wait3A_89] : memref<10240x128xf32, #tpu.memory_space<vmem_shared>> -> memref<10240x128xf32, #tpu.memory_space<vmem_shared>>
        tpu.wait_indirect_dma semaphore(%run_scoped3A_70 : memref<!tpu.dma_semaphore, #tpu.memory_space<semaphore_mem>>) src(%dma_wait3A_84 : memref<128x128xf32, #tpu.memory_space<vmem>>) dst(%dma_wait3A_90 : memref<10240x128xf32, #tpu.memory_space<vmem_shared>>)
        tpu.yield
      }) : () -> ()
      %add3A_63 = arith.constant 2 : i32
      %add3A_64 = arith.addi %scan3A_44, %add3A_63 : i32
      %lt3A_65 = arith.constant 79 : i32
      %lt3A_66 = arith.cmpi slt, %add3A_64, %lt3A_65 : i32
      %convert_element_type3A_67 = arith.extui %lt3A_66 : i1 to i32
      %cond3A_68 = arith.constant 0 : i32
      %cond3A_69 = arith.cmpi ne, %convert_element_type3A_67, %cond3A_68 : i32
      scf.if %cond3A_69 {
        %add3A_70 = arith.constant 2 : i32
        %add3A_71 = arith.addi %scan3A_44, %add3A_70 : i32
        %dma_start3A_72 = arith.constant 0 : i32
        %dma_start3A_73 = arith.constant 0 : i32
        %dma_start3A_74 = tpu.memref_slice %arg6[%rem3A_45, %dma_start3A_72, %dma_start3A_73] : memref<2x2x128xi32, #tpu.memory_space<vmem>> -> memref<1x2x128xi32, #tpu.memory_space<vmem>>
        %dma_start3A_75 = tpu.memref_squeeze %dma_start3A_74 : memref<1x2x128xi32, #tpu.memory_space<vmem>> -> memref<2x128xi32, #tpu.memory_space<vmem>>
        %dma_start3A_76 = arith.constant 0 : i32
        %dma_start3A_77 = arith.constant 0 : i32
        %dma_start3A_78 = tpu.memref_slice %arg3[%arg0, %arg1, %add3A_71, %dma_start3A_76, %dma_start3A_77] : memref<2x16x79x2x128xi32, #tpu.memory_space<hbm>> -> memref<1x1x1x2x128xi32, #tpu.memory_space<hbm>>
        %dma_start3A_79 = tpu.memref_squeeze %dma_start3A_78 : memref<1x1x1x2x128xi32, #tpu.memory_space<hbm>> -> memref<2x128xi32, #tpu.memory_space<hbm>>
        %dma_start3A_80 = tpu.memref_slice %arg10[%rem3A_45] : memref<2x!tpu.dma_semaphore, #tpu.memory_space<semaphore_mem>> -> memref<1x!tpu.dma_semaphore, #tpu.memory_space<semaphore_mem>>
        %dma_start3A_81 = tpu.memref_squeeze %dma_start3A_80 : memref<1x!tpu.dma_semaphore, #tpu.memory_space<semaphore_mem>> -> memref<!tpu.dma_semaphore, #tpu.memory_space<semaphore_mem>>
        %dma_start3A_82 = arith.constant 0 : i32
        %dma_start3A_83 = arith.constant 0 : i32
        %dma_start3A_84 = tpu.memref_slice %arg6[%rem3A_45, %dma_start3A_82, %dma_start3A_83] : memref<2x2x128xi32, #tpu.memory_space<vmem>> -> memref<1x2x128xi32, #tpu.memory_space<vmem>>
        %dma_start3A_85 = tpu.memref_squeeze %dma_start3A_84 : memref<1x2x128xi32, #tpu.memory_space<vmem>> -> memref<2x128xi32, #tpu.memory_space<vmem>>
        %dma_start3A_86 = arith.constant 0 : i32
        %dma_start3A_87 = arith.constant 0 : i32
        %dma_start3A_88 = tpu.memref_slice %arg3[%arg0, %arg1, %add3A_71, %dma_start3A_86, %dma_start3A_87] : memref<2x16x79x2x128xi32, #tpu.memory_space<hbm>> -> memref<1x1x1x2x128xi32, #tpu.memory_space<hbm>>
        %dma_start3A_89 = tpu.memref_squeeze %dma_start3A_88 : memref<1x1x1x2x128xi32, #tpu.memory_space<hbm>> -> memref<2x128xi32, #tpu.memory_space<hbm>>
        tpu.enqueue_dma source(%dma_start3A_89 : memref<2x128xi32, #tpu.memory_space<hbm>>) target(%dma_start3A_85 : memref<2x128xi32, #tpu.memory_space<vmem>>) target_semaphore(%dma_start3A_81 : memref<!tpu.dma_semaphore, #tpu.memory_space<semaphore_mem>>)
      } else {
      }
    }
    %scan3A_42 = arith.constant 79 : i32
    %barrier3A_43 = arith.constant 0 : index
    tpu.barrier barrier_id(%barrier3A_43)
    "tpu.region"() ({
      %run_scoped3A_44 = tpu.sem_alloc : memref<!tpu.dma_semaphore, #tpu.memory_space<semaphore_mem>>
      %dma_start3A_45 = arith.constant 0 : i32
      %dma_start3A_46 = tpu.memref_slice %arg5[%arg0, %mul3A_0, %dma_start3A_45] : memref<2x10240x128xf32, #tpu.memory_space<hbm>> -> memref<1x640x128xf32, #tpu.memory_space<hbm>>
      %dma_start3A_47 = tpu.memref_squeeze %dma_start3A_46 : memref<1x640x128xf32, #tpu.memory_space<hbm>> -> memref<640x128xf32, #tpu.memory_space<hbm>>
      %dma_start3A_48 = arith.constant 0 : i32
      %dma_start3A_49 = tpu.memref_slice %arg8[%mul3A_0, %dma_start3A_48] : memref<10240x128xf32, #tpu.memory_space<vmem_shared>> -> memref<640x128xf32, #tpu.memory_space<vmem_shared>>
      tpu.enqueue_dma source(%dma_start3A_49 : memref<640x128xf32, #tpu.memory_space<vmem_shared>>) target(%dma_start3A_47 : memref<640x128xf32, #tpu.memory_space<hbm>>) target_semaphore(%run_scoped3A_44 : memref<!tpu.dma_semaphore, #tpu.memory_space<semaphore_mem>>)
      %dma_wait3A = arith.constant 0 : i32
      %dma_wait3A_50 = tpu.memref_slice %arg5[%arg0, %mul3A_0, %dma_wait3A] : memref<2x10240x128xf32, #tpu.memory_space<hbm>> -> memref<1x640x128xf32, #tpu.memory_space<hbm>>
      %dma_wait3A_51 = tpu.memref_squeeze %dma_wait3A_50 : memref<1x640x128xf32, #tpu.memory_space<hbm>> -> memref<640x128xf32, #tpu.memory_space<hbm>>
      %dma_wait3A_52 = arith.constant 0 : i32
      %dma_wait3A_53 = tpu.memref_slice %arg8[%mul3A_0, %dma_wait3A_52] : memref<10240x128xf32, #tpu.memory_space<vmem_shared>> -> memref<640x128xf32, #tpu.memory_space<vmem_shared>>
      tpu.wait_dma2 semaphore(%run_scoped3A_44 : memref<!tpu.dma_semaphore, #tpu.memory_space<semaphore_mem>>) src(%dma_wait3A_53 : memref<640x128xf32, #tpu.memory_space<vmem_shared>>) dst(%dma_wait3A_51 : memref<640x128xf32, #tpu.memory_space<hbm>>)
      tpu.yield
    }) : () -> ()
    return
  }
}

#map = affine_map<(d0, d1) -> (0, 0)>
#map1 = affine_map<(d0, d1) -> (0, 0, 0, 0, 0)>
#map2 = affine_map<(d0, d1) -> (0, 0, 0)>
module attributes {stable_mosaic.version = 14 : i64} {
  func.func @scatter_kernel(%arg0: i32, %arg1: i32, %arg2: memref<10000x128xf32, #tpu.memory_space<hbm>>, %arg3: memref<2x16x79x2x128xi32, #tpu.memory_space<hbm>>, %arg4: memref<640x128xf32, #tpu.memory_space<hbm>>, %arg5: memref<2x10240x128xf32, #tpu.memory_space<hbm>>, %arg6: memref<2x2x128xi32, #tpu.memory_space<vmem>>, %arg7: memref<2x128x128xf32, #tpu.memory_space<vmem>>, %arg8: memref<10240x128xf32, #tpu.memory_space<vmem_shared>>, %arg9: memref<2x!tpu.dma_semaphore, #tpu.memory_space<semaphore_mem>>, %arg10: memref<2x!tpu.dma_semaphore, #tpu.memory_space<semaphore_mem>>) attributes {dimension_semantics = [#tpu.dimension_semantics<core_parallel>, #tpu.dimension_semantics<subcore_parallel>], iteration_bounds = array<i64: 2, 16>, scalar_prefetch = 0 : i64, scratch_operands = 5 : i64, tpu.core_type = #tpu.core_type<sc_vector_subcore>, window_params = [{transform_indices = #map}, {transform_indices = #map1}, {transform_indices = #map}, {transform_indices = #map2}]} {
    %mul3A = arith.constant 640 : i32
    %mul3A_0 = arith.muli %arg1, %mul3A : i32
    "tpu.region"() ({
      %run_scoped3A_44 = tpu.sem_alloc : memref<!tpu.dma_semaphore, #tpu.memory_space<semaphore_mem>>
      %dma_start3A_45 = arith.constant 0 : i32
      %dma_start3A_46 = tpu.memref_slice %arg8[%mul3A_0, %dma_start3A_45] : memref<10240x128xf32, #tpu.memory_space<vmem_shared>> -> memref<640x128xf32, #tpu.memory_space<vmem_shared>>
      tpu.enqueue_dma source(%arg4 : memref<640x128xf32, #tpu.memory_space<hbm>>) target(%dma_start3A_46 : memref<640x128xf32, #tpu.memory_space<vmem_shared>>) target_semaphore(%run_scoped3A_44 : memref<!tpu.dma_semaphore, #tpu.memory_space<semaphore_mem>>)
      %dma_wait3A = arith.constant 0 : i32
      %dma_wait3A_47 = tpu.memref_slice %arg8[%mul3A_0, %dma_wait3A] : memref<10240x128xf32, #tpu.memory_space<vmem_shared>> -> memref<640x128xf32, #tpu.memory_space<vmem_shared>>
      tpu.wait_dma2 semaphore(%run_scoped3A_44 : memref<!tpu.dma_semaphore, #tpu.memory_space<semaphore_mem>>) src(%arg4 : memref<640x128xf32, #tpu.memory_space<hbm>>) dst(%dma_wait3A_47 : memref<640x128xf32, #tpu.memory_space<vmem_shared>>)
      tpu.yield
    }) : () -> ()
    %barrier3A = arith.constant 0 : index
    tpu.barrier barrier_id(%barrier3A)
    %run_scoped3A = arith.constant 0 : i32
    %run_scoped3A_1 = arith.constant 0 : i32
    "tpu.region"() ({
      %run_scoped3A_44 = tpu.sem_alloc : memref<!tpu.dma_semaphore, #tpu.memory_space<semaphore_mem>>
      %dma_start3A_45 = arith.constant 0 : i32
      %dma_start3A_46 = arith.constant 0 : i32
      %dma_start3A_47 = tpu.memref_slice %arg6[%run_scoped3A_1, %dma_start3A_45, %dma_start3A_46] : memref<2x2x128xi32, #tpu.memory_space<vmem>> -> memref<1x2x128xi32, #tpu.memory_space<vmem>>
      %dma_start3A_48 = tpu.memref_squeeze %dma_start3A_47 : memref<1x2x128xi32, #tpu.memory_space<vmem>> -> memref<2x128xi32, #tpu.memory_space<vmem>>
      %dma_start3A_49 = arith.constant 0 : i32
      %dma_start3A_50 = arith.constant 0 : i32
      %dma_start3A_51 = tpu.memref_slice %arg3[%arg0, %arg1, %run_scoped3A, %dma_start3A_49, %dma_start3A_50] : memref<2x16x79x2x128xi32, #tpu.memory_space<hbm>> -> memref<1x1x1x2x128xi32, #tpu.memory_space<hbm>>
      %dma_start3A_52 = tpu.memref_squeeze %dma_start3A_51 : memref<1x1x1x2x128xi32, #tpu.memory_space<hbm>> -> memref<2x128xi32, #tpu.memory_space<hbm>>
      %dma_start3A_53 = arith.constant 0 : i32
      %dma_start3A_54 = arith.constant 0 : i32
      %dma_start3A_55 = tpu.memref_slice %arg6[%run_scoped3A_1, %dma_start3A_53, %dma_start3A_54] : memref<2x2x128xi32, #tpu.memory_space<vmem>> -> memref<1x2x128xi32, #tpu.memory_space<vmem>>
      %dma_start3A_56 = tpu.memref_squeeze %dma_start3A_55 : memref<1x2x128xi32, #tpu.memory_space<vmem>> -> memref<2x128xi32, #tpu.memory_space<vmem>>
      %dma_start3A_57 = arith.constant 0 : i32
      %dma_start3A_58 = arith.constant 0 : i32
      %dma_start3A_59 = tpu.memref_slice %arg3[%arg0, %arg1, %run_scoped3A, %dma_start3A_57, %dma_start3A_58] : memref<2x16x79x2x128xi32, #tpu.memory_space<hbm>> -> memref<1x1x1x2x128xi32, #tpu.memory_space<hbm>>
      %dma_start3A_60 = tpu.memref_squeeze %dma_start3A_59 : memref<1x1x1x2x128xi32, #tpu.memory_space<hbm>> -> memref<2x128xi32, #tpu.memory_space<hbm>>
      tpu.enqueue_dma source(%dma_start3A_60 : memref<2x128xi32, #tpu.memory_space<hbm>>) target(%dma_start3A_56 : memref<2x128xi32, #tpu.memory_space<vmem>>) target_semaphore(%run_scoped3A_44 : memref<!tpu.dma_semaphore, #tpu.memory_space<semaphore_mem>>)
      %dma_wait3A = arith.constant 0 : i32
      %dma_wait3A_61 = arith.constant 0 : i32
      %dma_wait3A_62 = tpu.memref_slice %arg6[%run_scoped3A_1, %dma_wait3A, %dma_wait3A_61] : memref<2x2x128xi32, #tpu.memory_space<vmem>> -> memref<1x2x128xi32, #tpu.memory_space<vmem>>
      %dma_wait3A_63 = tpu.memref_squeeze %dma_wait3A_62 : memref<1x2x128xi32, #tpu.memory_space<vmem>> -> memref<2x128xi32, #tpu.memory_space<vmem>>
      %dma_wait3A_64 = arith.constant 0 : i32
      %dma_wait3A_65 = arith.constant 0 : i32
      %dma_wait3A_66 = tpu.memref_slice %arg3[%arg0, %arg1, %run_scoped3A, %dma_wait3A_64, %dma_wait3A_65] : memref<2x16x79x2x128xi32, #tpu.memory_space<hbm>> -> memref<1x1x1x2x128xi32, #tpu.memory_space<hbm>>
      %dma_wait3A_67 = tpu.memref_squeeze %dma_wait3A_66 : memref<1x1x1x2x128xi32, #tpu.memory_space<hbm>> -> memref<2x128xi32, #tpu.memory_space<hbm>>
      %dma_wait3A_68 = arith.constant 0 : i32
      %dma_wait3A_69 = arith.constant 0 : i32
      %dma_wait3A_70 = tpu.memref_slice %arg6[%run_scoped3A_1, %dma_wait3A_68, %dma_wait3A_69] : memref<2x2x128xi32, #tpu.memory_space<vmem>> -> memref<1x2x128xi32, #tpu.memory_space<vmem>>
      %dma_wait3A_71 = tpu.memref_squeeze %dma_wait3A_70 : memref<1x2x128xi32, #tpu.memory_space<vmem>> -> memref<2x128xi32, #tpu.memory_space<vmem>>
      %dma_wait3A_72 = arith.constant 0 : i32
      %dma_wait3A_73 = arith.constant 0 : i32
      %dma_wait3A_74 = tpu.memref_slice %arg3[%arg0, %arg1, %run_scoped3A, %dma_wait3A_72, %dma_wait3A_73] : memref<2x16x79x2x128xi32, #tpu.memory_space<hbm>> -> memref<1x1x1x2x128xi32, #tpu.memory_space<hbm>>
      %dma_wait3A_75 = tpu.memref_squeeze %dma_wait3A_74 : memref<1x1x1x2x128xi32, #tpu.memory_space<hbm>> -> memref<2x128xi32, #tpu.memory_space<hbm>>
      tpu.wait_dma2 semaphore(%run_scoped3A_44 : memref<!tpu.dma_semaphore, #tpu.memory_space<semaphore_mem>>) src(%dma_wait3A_75 : memref<2x128xi32, #tpu.memory_space<hbm>>) dst(%dma_wait3A_71 : memref<2x128xi32, #tpu.memory_space<vmem>>)
      tpu.yield
    }) : () -> ()
    %dma_start3A = arith.constant 0 : i32
    %dma_start3A_2 = arith.constant 0 : i32
    %dma_start3A_3 = arith.constant 0 : i32
    %dma_start3A_4 = arith.constant 0 : i32
    %dma_start3A_5 = arith.constant 0 : i32
    %dma_start3A_6 = arith.constant 0 : i32
    %dma_start3A_7 = tpu.memref_slice %arg7[%dma_start3A_3, %dma_start3A_5, %dma_start3A_6] : memref<2x128x128xf32, #tpu.memory_space<vmem>> -> memref<1x128x128xf32, #tpu.memory_space<vmem>>
    %dma_start3A_8 = tpu.memref_squeeze %dma_start3A_7 : memref<1x128x128xf32, #tpu.memory_space<vmem>> -> memref<128x128xf32, #tpu.memory_space<vmem>>
    %dma_start3A_9 = arith.constant 0 : i32
    %dma_start3A_10 = tpu.memref_slice %arg6[%dma_start3A, %dma_start3A_2, %dma_start3A_9] : memref<2x2x128xi32, #tpu.memory_space<vmem>> -> memref<1x1x128xi32, #tpu.memory_space<vmem>>
    %dma_start3A_11 = tpu.memref_squeeze %dma_start3A_10 : memref<1x1x128xi32, #tpu.memory_space<vmem>> -> memref<128xi32, #tpu.memory_space<vmem>>
    %dma_start3A_12 = arith.constant 0 : i32
    %dma_start3A_13 = arith.constant 0 : i32
    %dma_start3A_14 = tpu.memref_slice %arg2[%dma_start3A_12, %dma_start3A_13] : memref<10000x128xf32, #tpu.memory_space<hbm>> -> memref<10000x128xf32, #tpu.memory_space<hbm>>
    %dma_start3A_15 = tpu.memref_slice %arg9[%dma_start3A_4] : memref<2x!tpu.dma_semaphore, #tpu.memory_space<semaphore_mem>> -> memref<1x!tpu.dma_semaphore, #tpu.memory_space<semaphore_mem>>
    %dma_start3A_16 = tpu.memref_squeeze %dma_start3A_15 : memref<1x!tpu.dma_semaphore, #tpu.memory_space<semaphore_mem>> -> memref<!tpu.dma_semaphore, #tpu.memory_space<semaphore_mem>>
    tpu.enqueue_indirect_dma source(%dma_start3A_14 : memref<10000x128xf32, #tpu.memory_space<hbm>>) target(%dma_start3A_8 : memref<128x128xf32, #tpu.memory_space<vmem>>) offsets(%dma_start3A_11 : memref<128xi32, #tpu.memory_space<vmem>>) semaphore(%dma_start3A_16 : memref<!tpu.dma_semaphore, #tpu.memory_space<semaphore_mem>>)
    %dma_start3A_17 = arith.constant 1 : i32
    %dma_start3A_18 = arith.constant 1 : i32
    %dma_start3A_19 = arith.constant 1 : i32
    %dma_start3A_20 = arith.constant 0 : i32
    %dma_start3A_21 = arith.constant 0 : i32
    %dma_start3A_22 = tpu.memref_slice %arg6[%dma_start3A_18, %dma_start3A_20, %dma_start3A_21] : memref<2x2x128xi32, #tpu.memory_space<vmem>> -> memref<1x2x128xi32, #tpu.memory_space<vmem>>
    %dma_start3A_23 = tpu.memref_squeeze %dma_start3A_22 : memref<1x2x128xi32, #tpu.memory_space<vmem>> -> memref<2x128xi32, #tpu.memory_space<vmem>>
    %dma_start3A_24 = arith.constant 0 : i32
    %dma_start3A_25 = arith.constant 0 : i32
    %dma_start3A_26 = tpu.memref_slice %arg3[%arg0, %arg1, %dma_start3A_17, %dma_start3A_24, %dma_start3A_25] : memref<2x16x79x2x128xi32, #tpu.memory_space<hbm>> -> memref<1x1x1x2x128xi32, #tpu.memory_space<hbm>>
    %dma_start3A_27 = tpu.memref_squeeze %dma_start3A_26 : memref<1x1x1x2x128xi32, #tpu.memory_space<hbm>> -> memref<2x128xi32, #tpu.memory_space<hbm>>
    %dma_start3A_28 = tpu.memref_slice %arg10[%dma_start3A_19] : memref<2x!tpu.dma_semaphore, #tpu.memory_space<semaphore_mem>> -> memref<1x!tpu.dma_semaphore, #tpu.memory_space<semaphore_mem>>
    %dma_start3A_29 = tpu.memref_squeeze %dma_start3A_28 : memref<1x!tpu.dma_semaphore, #tpu.memory_space<semaphore_mem>> -> memref<!tpu.dma_semaphore, #tpu.memory_space<semaphore_mem>>
    %dma_start3A_30 = arith.constant 0 : i32
    %dma_start3A_31 = arith.constant 0 : i32
    %dma_start3A_32 = tpu.memref_slice %arg6[%dma_start3A_18, %dma_start3A_30, %dma_start3A_31] : memref<2x2x128xi32, #tpu.memory_space<vmem>> -> memref<1x2x128xi32, #tpu.memory_space<vmem>>
    %dma_start3A_33 = tpu.memref_squeeze %dma_start3A_32 : memref<1x2x128xi32, #tpu.memory_space<vmem>> -> memref<2x128xi32, #tpu.memory_space<vmem>>
    %dma_start3A_34 = arith.constant 0 : i32
    %dma_start3A_35 = arith.constant 0 : i32
    %dma_start3A_36 = tpu.memref_slice %arg3[%arg0, %arg1, %dma_start3A_17, %dma_start3A_34, %dma_start3A_35] : memref<2x16x79x2x128xi32, #tpu.memory_space<hbm>> -> memref<1x1x1x2x128xi32, #tpu.memory_space<hbm>>
    %dma_start3A_37 = tpu.memref_squeeze %dma_start3A_36 : memref<1x1x1x2x128xi32, #tpu.memory_space<hbm>> -> memref<2x128xi32, #tpu.memory_space<hbm>>
    tpu.enqueue_dma source(%dma_start3A_37 : memref<2x128xi32, #tpu.memory_space<hbm>>) target(%dma_start3A_33 : memref<2x128xi32, #tpu.memory_space<vmem>>) target_semaphore(%dma_start3A_29 : memref<!tpu.dma_semaphore, #tpu.memory_space<semaphore_mem>>)
    %scan3A = arith.constant 0 : i32
    %scan3A_38 = arith.constant 0 : i32
    %scan3A_39 = arith.constant 79 : i32
    %scan3A_40 = arith.addi %scan3A_38, %scan3A_39 : i32
    %scan3A_41 = arith.constant 1 : i32
    scf.for %scan3A_44 = %scan3A_38 to %scan3A_40 step %scan3A_41  : i32 {
      %rem3A = arith.constant 2 : i32
      %rem3A_45 = arith.remsi %scan3A_44, %rem3A : i32
      %sub3A = arith.constant 1 : i32
      %sub3A_46 = arith.subi %sub3A, %rem3A_45 : i32
      %add3A = arith.constant 1 : i32
      %add3A_47 = arith.addi %scan3A_44, %add3A : i32
      %lt3A = arith.constant 79 : i32
      %lt3A_48 = arith.cmpi slt, %add3A_47, %lt3A : i32
      %convert_element_type3A = arith.extui %lt3A_48 : i1 to i32
      %cond3A = arith.constant 0 : i32
      %cond3A_49 = arith.cmpi ne, %convert_element_type3A, %cond3A : i32
      scf.if %cond3A_49 {
        %dma_wait3A_70 = arith.constant 0 : i32
        %dma_wait3A_71 = arith.constant 0 : i32
        %dma_wait3A_72 = arith.constant 0 : i32
        %dma_wait3A_73 = tpu.memref_slice %arg6[%sub3A_46, %dma_wait3A_71, %dma_wait3A_72] : memref<2x2x128xi32, #tpu.memory_space<vmem>> -> memref<1x2x128xi32, #tpu.memory_space<vmem>>
        %dma_wait3A_74 = tpu.memref_squeeze %dma_wait3A_73 : memref<1x2x128xi32, #tpu.memory_space<vmem>> -> memref<2x128xi32, #tpu.memory_space<vmem>>
        %dma_wait3A_75 = arith.constant 0 : i32
        %dma_wait3A_76 = arith.constant 0 : i32
        %dma_wait3A_77 = tpu.memref_slice %arg3[%arg0, %arg1, %dma_wait3A_70, %dma_wait3A_75, %dma_wait3A_76] : memref<2x16x79x2x128xi32, #tpu.memory_space<hbm>> -> memref<1x1x1x2x128xi32, #tpu.memory_space<hbm>>
        %dma_wait3A_78 = tpu.memref_squeeze %dma_wait3A_77 : memref<1x1x1x2x128xi32, #tpu.memory_space<hbm>> -> memref<2x128xi32, #tpu.memory_space<hbm>>
        %dma_wait3A_79 = tpu.memref_slice %arg10[%sub3A_46] : memref<2x!tpu.dma_semaphore, #tpu.memory_space<semaphore_mem>> -> memref<1x!tpu.dma_semaphore, #tpu.memory_space<semaphore_mem>>
        %dma_wait3A_80 = tpu.memref_squeeze %dma_wait3A_79 : memref<1x!tpu.dma_semaphore, #tpu.memory_space<semaphore_mem>> -> memref<!tpu.dma_semaphore, #tpu.memory_space<semaphore_mem>>
        %dma_wait3A_81 = arith.constant 0 : i32
        %dma_wait3A_82 = arith.constant 0 : i32
        %dma_wait3A_83 = tpu.memref_slice %arg6[%sub3A_46, %dma_wait3A_81, %dma_wait3A_82] : memref<2x2x128xi32, #tpu.memory_space<vmem>> -> memref<1x2x128xi32, #tpu.memory_space<vmem>>
        %dma_wait3A_84 = tpu.memref_squeeze %dma_wait3A_83 : memref<1x2x128xi32, #tpu.memory_space<vmem>> -> memref<2x128xi32, #tpu.memory_space<vmem>>
        %dma_wait3A_85 = arith.constant 0 : i32
        %dma_wait3A_86 = arith.constant 0 : i32
        %dma_wait3A_87 = tpu.memref_slice %arg3[%arg0, %arg1, %dma_wait3A_70, %dma_wait3A_85, %dma_wait3A_86] : memref<2x16x79x2x128xi32, #tpu.memory_space<hbm>> -> memref<1x1x1x2x128xi32, #tpu.memory_space<hbm>>
        %dma_wait3A_88 = tpu.memref_squeeze %dma_wait3A_87 : memref<1x1x1x2x128xi32, #tpu.memory_space<hbm>> -> memref<2x128xi32, #tpu.memory_space<hbm>>
        tpu.wait_dma2 semaphore(%dma_wait3A_80 : memref<!tpu.dma_semaphore, #tpu.memory_space<semaphore_mem>>) src(%dma_wait3A_88 : memref<2x128xi32, #tpu.memory_space<hbm>>) dst(%dma_wait3A_84 : memref<2x128xi32, #tpu.memory_space<vmem>>)
        %dma_start3A_89 = arith.constant 0 : i32
        %dma_start3A_90 = arith.constant 0 : i32
        %dma_start3A_91 = arith.constant 0 : i32
        %dma_start3A_92 = tpu.memref_slice %arg7[%sub3A_46, %dma_start3A_90, %dma_start3A_91] : memref<2x128x128xf32, #tpu.memory_space<vmem>> -> memref<1x128x128xf32, #tpu.memory_space<vmem>>
        %dma_start3A_93 = tpu.memref_squeeze %dma_start3A_92 : memref<1x128x128xf32, #tpu.memory_space<vmem>> -> memref<128x128xf32, #tpu.memory_space<vmem>>
        %dma_start3A_94 = arith.constant 0 : i32
        %dma_start3A_95 = tpu.memref_slice %arg6[%sub3A_46, %dma_start3A_89, %dma_start3A_94] : memref<2x2x128xi32, #tpu.memory_space<vmem>> -> memref<1x1x128xi32, #tpu.memory_space<vmem>>
        %dma_start3A_96 = tpu.memref_squeeze %dma_start3A_95 : memref<1x1x128xi32, #tpu.memory_space<vmem>> -> memref<128xi32, #tpu.memory_space<vmem>>
        %dma_start3A_97 = arith.constant 0 : i32
        %dma_start3A_98 = arith.constant 0 : i32
        %dma_start3A_99 = tpu.memref_slice %arg2[%dma_start3A_97, %dma_start3A_98] : memref<10000x128xf32, #tpu.memory_space<hbm>> -> memref<10000x128xf32, #tpu.memory_space<hbm>>
        %dma_start3A_100 = tpu.memref_slice %arg9[%sub3A_46] : memref<2x!tpu.dma_semaphore, #tpu.memory_space<semaphore_mem>> -> memref<1x!tpu.dma_semaphore, #tpu.memory_space<semaphore_mem>>
        %dma_start3A_101 = tpu.memref_squeeze %dma_start3A_100 : memref<1x!tpu.dma_semaphore, #tpu.memory_space<semaphore_mem>> -> memref<!tpu.dma_semaphore, #tpu.memory_space<semaphore_mem>>
        tpu.enqueue_indirect_dma source(%dma_start3A_99 : memref<10000x128xf32, #tpu.memory_space<hbm>>) target(%dma_start3A_93 : memref<128x128xf32, #tpu.memory_space<vmem>>) offsets(%dma_start3A_96 : memref<128xi32, #tpu.memory_space<vmem>>) semaphore(%dma_start3A_101 : memref<!tpu.dma_semaphore, #tpu.memory_space<semaphore_mem>>)
      } else {
      }
      %dma_wait3A = arith.constant 0 : i32
      %dma_wait3A_50 = arith.constant 0 : i32
      %dma_wait3A_51 = arith.constant 0 : i32
      %dma_wait3A_52 = tpu.memref_slice %arg7[%rem3A_45, %dma_wait3A_50, %dma_wait3A_51] : memref<2x128x128xf32, #tpu.memory_space<vmem>> -> memref<1x128x128xf32, #tpu.memory_space<vmem>>
      %dma_wait3A_53 = tpu.memref_squeeze %dma_wait3A_52 : memref<1x128x128xf32, #tpu.memory_space<vmem>> -> memref<128x128xf32, #tpu.memory_space<vmem>>
      %dma_wait3A_54 = arith.constant 0 : i32
      %dma_wait3A_55 = tpu.memref_slice %arg6[%rem3A_45, %dma_wait3A, %dma_wait3A_54] : memref<2x2x128xi32, #tpu.memory_space<vmem>> -> memref<1x1x128xi32, #tpu.memory_space<vmem>>
      %dma_wait3A_56 = tpu.memref_squeeze %dma_wait3A_55 : memref<1x1x128xi32, #tpu.memory_space<vmem>> -> memref<128xi32, #tpu.memory_space<vmem>>
      %dma_wait3A_57 = arith.constant 0 : i32
      %dma_wait3A_58 = arith.constant 0 : i32
      %dma_wait3A_59 = tpu.memref_slice %arg2[%dma_wait3A_57, %dma_wait3A_58] : memref<10000x128xf32, #tpu.memory_space<hbm>> -> memref<10000x128xf32, #tpu.memory_space<hbm>>
      %dma_wait3A_60 = tpu.memref_slice %arg9[%rem3A_45] : memref<2x!tpu.dma_semaphore, #tpu.memory_space<semaphore_mem>> -> memref<1x!tpu.dma_semaphore, #tpu.memory_space<semaphore_mem>>
      %dma_wait3A_61 = tpu.memref_squeeze %dma_wait3A_60 : memref<1x!tpu.dma_semaphore, #tpu.memory_space<semaphore_mem>> -> memref<!tpu.dma_semaphore, #tpu.memory_space<semaphore_mem>>
      tpu.wait_indirect_dma semaphore(%dma_wait3A_61 : memref<!tpu.dma_semaphore, #tpu.memory_space<semaphore_mem>>) src(%dma_wait3A_59 : memref<10000x128xf32, #tpu.memory_space<hbm>>) dst(%dma_wait3A_53 : memref<128x128xf32, #tpu.memory_space<vmem>>)
      %run_scoped3A_62 = arith.constant 1 : i32
      "tpu.region"() ({
        %run_scoped3A_70 = tpu.sem_alloc : memref<!tpu.dma_semaphore, #tpu.memory_space<semaphore_mem>>
        %dma_start3A_71 = arith.constant 0 : i32
        %dma_start3A_72 = arith.constant 0 : i32
        %dma_start3A_73 = tpu.memref_slice %arg7[%rem3A_45, %dma_start3A_71, %dma_start3A_72] : memref<2x128x128xf32, #tpu.memory_space<vmem>> -> memref<1x128x128xf32, #tpu.memory_space<vmem>>
        %dma_start3A_74 = tpu.memref_squeeze %dma_start3A_73 : memref<1x128x128xf32, #tpu.memory_space<vmem>> -> memref<128x128xf32, #tpu.memory_space<vmem>>
        %dma_start3A_75 = arith.constant 0 : i32
        %dma_start3A_76 = tpu.memref_slice %arg6[%rem3A_45, %run_scoped3A_62, %dma_start3A_75] : memref<2x2x128xi32, #tpu.memory_space<vmem>> -> memref<1x1x128xi32, #tpu.memory_space<vmem>>
        %dma_start3A_77 = tpu.memref_squeeze %dma_start3A_76 : memref<1x1x128xi32, #tpu.memory_space<vmem>> -> memref<128xi32, #tpu.memory_space<vmem>>
        %dma_start3A_78 = arith.constant 0 : i32
        %dma_start3A_79 = arith.constant 0 : i32
        %dma_start3A_80 = tpu.memref_slice %arg8[%dma_start3A_78, %dma_start3A_79] : memref<10240x128xf32, #tpu.memory_space<vmem_shared>> -> memref<10240x128xf32, #tpu.memory_space<vmem_shared>>
        tpu.enqueue_indirect_dma source(%dma_start3A_74 : memref<128x128xf32, #tpu.memory_space<vmem>>) target(%dma_start3A_80 : memref<10240x128xf32, #tpu.memory_space<vmem_shared>>) offsets(%dma_start3A_77 : memref<128xi32, #tpu.memory_space<vmem>>) semaphore(%run_scoped3A_70 : memref<!tpu.dma_semaphore, #tpu.memory_space<semaphore_mem>>) {add = true}
        %dma_wait3A_81 = arith.constant 0 : i32
        %dma_wait3A_82 = arith.constant 0 : i32
        %dma_wait3A_83 = tpu.memref_slice %arg7[%rem3A_45, %dma_wait3A_81, %dma_wait3A_82] : memref<2x128x128xf32, #tpu.memory_space<vmem>> -> memref<1x128x128xf32, #tpu.memory_space<vmem>>
        %dma_wait3A_84 = tpu.memref_squeeze %dma_wait3A_83 : memref<1x128x128xf32, #tpu.memory_space<vmem>> -> memref<128x128xf32, #tpu.memory_space<vmem>>
        %dma_wait3A_85 = arith.constant 0 : i32
        %dma_wait3A_86 = tpu.memref_slice %arg6[%rem3A_45, %run_scoped3A_62, %dma_wait3A_85] : memref<2x2x128xi32, #tpu.memory_space<vmem>> -> memref<1x1x128xi32, #tpu.memory_space<vmem>>
        %dma_wait3A_87 = tpu.memref_squeeze %dma_wait3A_86 : memref<1x1x128xi32, #tpu.memory_space<vmem>> -> memref<128xi32, #tpu.memory_space<vmem>>
        %dma_wait3A_88 = arith.constant 0 : i32
        %dma_wait3A_89 = arith.constant 0 : i32
        %dma_wait3A_90 = tpu.memref_slice %arg8[%dma_wait3A_88, %dma_wait3A_89] : memref<10240x128xf32, #tpu.memory_space<vmem_shared>> -> memref<10240x128xf32, #tpu.memory_space<vmem_shared>>
        tpu.wait_indirect_dma semaphore(%run_scoped3A_70 : memref<!tpu.dma_semaphore, #tpu.memory_space<semaphore_mem>>) src(%dma_wait3A_84 : memref<128x128xf32, #tpu.memory_space<vmem>>) dst(%dma_wait3A_90 : memref<10240x128xf32, #tpu.memory_space<vmem_shared>>)
        tpu.yield
      }) : () -> ()
      %add3A_63 = arith.constant 2 : i32
      %add3A_64 = arith.addi %scan3A_44, %add3A_63 : i32
      %lt3A_65 = arith.constant 79 : i32
      %lt3A_66 = arith.cmpi slt, %add3A_64, %lt3A_65 : i32
      %convert_element_type3A_67 = arith.extui %lt3A_66 : i1 to i32
      %cond3A_68 = arith.constant 0 : i32
      %cond3A_69 = arith.cmpi ne, %convert_element_type3A_67, %cond3A_68 : i32
      scf.if %cond3A_69 {
        %add3A_70 = arith.constant 2 : i32
        %add3A_71 = arith.addi %scan3A_44, %add3A_70 : i32
        %dma_start3A_72 = arith.constant 0 : i32
        %dma_start3A_73 = arith.constant 0 : i32
        %dma_start3A_74 = tpu.memref_slice %arg6[%rem3A_45, %dma_start3A_72, %dma_start3A_73] : memref<2x2x128xi32, #tpu.memory_space<vmem>> -> memref<1x2x128xi32, #tpu.memory_space<vmem>>
        %dma_start3A_75 = tpu.memref_squeeze %dma_start3A_74 : memref<1x2x128xi32, #tpu.memory_space<vmem>> -> memref<2x128xi32, #tpu.memory_space<vmem>>
        %dma_start3A_76 = arith.constant 0 : i32
        %dma_start3A_77 = arith.constant 0 : i32
        %dma_start3A_78 = tpu.memref_slice %arg3[%arg0, %arg1, %add3A_71, %dma_start3A_76, %dma_start3A_77] : memref<2x16x79x2x128xi32, #tpu.memory_space<hbm>> -> memref<1x1x1x2x128xi32, #tpu.memory_space<hbm>>
        %dma_start3A_79 = tpu.memref_squeeze %dma_start3A_78 : memref<1x1x1x2x128xi32, #tpu.memory_space<hbm>> -> memref<2x128xi32, #tpu.memory_space<hbm>>
        %dma_start3A_80 = tpu.memref_slice %arg10[%rem3A_45] : memref<2x!tpu.dma_semaphore, #tpu.memory_space<semaphore_mem>> -> memref<1x!tpu.dma_semaphore, #tpu.memory_space<semaphore_mem>>
        %dma_start3A_81 = tpu.memref_squeeze %dma_start3A_80 : memref<1x!tpu.dma_semaphore, #tpu.memory_space<semaphore_mem>> -> memref<!tpu.dma_semaphore, #tpu.memory_space<semaphore_mem>>
        %dma_start3A_82 = arith.constant 0 : i32
        %dma_start3A_83 = arith.constant 0 : i32
        %dma_start3A_84 = tpu.memref_slice %arg6[%rem3A_45, %dma_start3A_82, %dma_start3A_83] : memref<2x2x128xi32, #tpu.memory_space<vmem>> -> memref<1x2x128xi32, #tpu.memory_space<vmem>>
        %dma_start3A_85 = tpu.memref_squeeze %dma_start3A_84 : memref<1x2x128xi32, #tpu.memory_space<vmem>> -> memref<2x128xi32, #tpu.memory_space<vmem>>
        %dma_start3A_86 = arith.constant 0 : i32
        %dma_start3A_87 = arith.constant 0 : i32
        %dma_start3A_88 = tpu.memref_slice %arg3[%arg0, %arg1, %add3A_71, %dma_start3A_86, %dma_start3A_87] : memref<2x16x79x2x128xi32, #tpu.memory_space<hbm>> -> memref<1x1x1x2x128xi32, #tpu.memory_space<hbm>>
        %dma_start3A_89 = tpu.memref_squeeze %dma_start3A_88 : memref<1x1x1x2x128xi32, #tpu.memory_space<hbm>> -> memref<2x128xi32, #tpu.memory_space<hbm>>
        tpu.enqueue_dma source(%dma_start3A_89 : memref<2x128xi32, #tpu.memory_space<hbm>>) target(%dma_start3A_85 : memref<2x128xi32, #tpu.memory_space<vmem>>) target_semaphore(%dma_start3A_81 : memref<!tpu.dma_semaphore, #tpu.memory_space<semaphore_mem>>)
      } else {
      }
    }
    %scan3A_42 = arith.constant 79 : i32
    %barrier3A_43 = arith.constant 0 : index
    tpu.barrier barrier_id(%barrier3A_43)
    "tpu.region"() ({
      %run_scoped3A_44 = tpu.sem_alloc : memref<!tpu.dma_semaphore, #tpu.memory_space<semaphore_mem>>
      %dma_start3A_45 = arith.constant 0 : i32
      %dma_start3A_46 = tpu.memref_slice %arg5[%arg0, %mul3A_0, %dma_start3A_45] : memref<2x10240x128xf32, #tpu.memory_space<hbm>> -> memref<1x640x128xf32, #tpu.memory_space<hbm>>
      %dma_start3A_47 = tpu.memref_squeeze %dma_start3A_46 : memref<1x640x128xf32, #tpu.memory_space<hbm>> -> memref<640x128xf32, #tpu.memory_space<hbm>>
      %dma_start3A_48 = arith.constant 0 : i32
      %dma_start3A_49 = tpu.memref_slice %arg8[%mul3A_0, %dma_start3A_48] : memref<10240x128xf32, #tpu.memory_space<vmem_shared>> -> memref<640x128xf32, #tpu.memory_space<vmem_shared>>
      tpu.enqueue_dma source(%dma_start3A_49 : memref<640x128xf32, #tpu.memory_space<vmem_shared>>) target(%dma_start3A_47 : memref<640x128xf32, #tpu.memory_space<hbm>>) target_semaphore(%run_scoped3A_44 : memref<!tpu.dma_semaphore, #tpu.memory_space<semaphore_mem>>)
      %dma_wait3A = arith.constant 0 : i32
      %dma_wait3A_50 = tpu.memref_slice %arg5[%arg0, %mul3A_0, %dma_wait3A] : memref<2x10240x128xf32, #tpu.memory_space<hbm>> -> memref<1x640x128xf32, #tpu.memory_space<hbm>>
      %dma_wait3A_51 = tpu.memref_squeeze %dma_wait3A_50 : memref<1x640x128xf32, #tpu.memory_space<hbm>> -> memref<640x128xf32, #tpu.memory_space<hbm>>
      %dma_wait3A_52 = arith.constant 0 : i32
      %dma_wait3A_53 = tpu.memref_slice %arg8[%mul3A_0, %dma_wait3A_52] : memref<10240x128xf32, #tpu.memory_space<vmem_shared>> -> memref<640x128xf32, #tpu.memory_space<vmem_shared>>
      tpu.wait_dma2 semaphore(%run_scoped3A_44 : memref<!tpu.dma_semaphore, #tpu.memory_space<semaphore_mem>>) src(%dma_wait3A_53 : memref<640x128xf32, #tpu.memory_space<vmem_shared>>) dst(%dma_wait3A_51 : memref<640x128xf32, #tpu.memory_space<hbm>>)
      tpu.yield
    }) : () -> ()
    return
  }
}

module attributes {stable_mosaic.version = 14 : i64} {
  func.func @tc_a_body(%arg0: i32, %arg1: memref<2000x128xf32, #tpu.memory_space<vmem>>, %arg2: memref<128x128xf32, #tpu.memory_space<vmem>>, %arg3: memref<2000x1xf32, #tpu.memory_space<vmem>>, %arg4: memref<2000x1xf32, #tpu.memory_space<vmem>>, %arg5: memref<2000x128xf32, #tpu.memory_space<vmem>>, %arg6: memref<2000x1xf32, #tpu.memory_space<vmem>>) attributes {dimension_semantics = [#tpu.dimension_semantics<arbitrary>], iteration_bounds = array<i64: 5>, scalar_prefetch = 0 : i64, scratch_operands = 0 : i64, tpu.core_type = #tpu.core_type<tc>, window_params = [{transform_indices = @transform_0, window_bounds = array<i64: 2000, 128>}, {pipeline_mode = #tpu.pipeline_mode<synchronous>, transform_indices = @transform_1, window_bounds = array<i64: 128, 128>}, {transform_indices = @transform_2, window_bounds = array<i64: 2000, 1>}, {transform_indices = @transform_3, window_bounds = array<i64: 2000, 1>}, {transform_indices = @transform_4, window_bounds = array<i64: 2000, 128>}, {transform_indices = @transform_5, window_bounds = array<i64: 2000, 1>}]} {
    %get3A = arith.constant 0 : index
    %get3A_0 = arith.constant 0 : index
    %get3A_1 = vector.load %arg3[%get3A, %get3A_0] : memref<2000x1xf32, #tpu.memory_space<vmem>>, vector<2000x1xf32>
    %get3A_2 = arith.constant 0 : index
    %get3A_3 = arith.constant 0 : index
    %get3A_4 = vector.load %arg4[%get3A_2, %get3A_3] : memref<2000x1xf32, #tpu.memory_space<vmem>>, vector<2000x1xf32>
    %add3A = arith.addf %get3A_1, %get3A_4 : vector<2000x1xf32>
    %add3A_5 = arith.constant 1.000000e+00 : f32
    %add3A_6 = vector.broadcast %add3A_5 : f32 to vector<2000x1xf32>
    %add3A_7 = arith.addf %add3A, %add3A_6 : vector<2000x1xf32>
    %rsqrt3A = math.rsqrt %add3A_7 : vector<2000x1xf32>
    %swap3A = arith.constant 0 : index
    %swap3A_8 = arith.constant 0 : index
    %swap3A_9 = vector.load %arg6[%swap3A, %swap3A_8] : memref<2000x1xf32, #tpu.memory_space<vmem>>, vector<2000x1xf32>
    tpu.vector_store %arg6[%swap3A, %swap3A_8], %rsqrt3A {strides = array<i32>} : memref<2000x1xf32, #tpu.memory_space<vmem>>, vector<2000x1xf32>,
    %get3A_10 = arith.constant 0 : index
    %get3A_11 = arith.constant 0 : index
    %get3A_12 = vector.load %arg1[%get3A_10, %get3A_11] : memref<2000x128xf32, #tpu.memory_space<vmem>>, vector<2000x128xf32>
    %get3A_13 = arith.constant 0 : index
    %get3A_14 = arith.constant 0 : index
    %get3A_15 = vector.load %arg2[%get3A_13, %get3A_14] : memref<128x128xf32, #tpu.memory_space<vmem>>, vector<128x128xf32>
    %dot_general3A = arith.constant dense<0.000000e+00> : vector<2000x128xf32>
    %dot_general3A_16 = tpu.matmul %get3A_12, %get3A_15, %dot_general3A {dimension_numbers = #tpu.dot_dimension_numbers<[1], [0], [0], [1], [0, 0, 1, 1], [], []>, precision = #tpu.contract_precision<fp32>, transpose_lhs_hint = false} : vector<2000x128xf32>, vector<128x128xf32>, vector<2000x128xf32> -> vector<2000x128xf32>
    %mul3A = vector.broadcast %rsqrt3A : vector<2000x1xf32> to vector<2000x128xf32>
    %mul3A_17 = arith.mulf %mul3A, %dot_general3A_16 : vector<2000x128xf32>
    %swap3A_18 = arith.constant 0 : index
    %swap3A_19 = arith.constant 0 : index
    %swap3A_20 = vector.load %arg5[%swap3A_18, %swap3A_19] : memref<2000x128xf32, #tpu.memory_space<vmem>>, vector<2000x128xf32>
    tpu.vector_store %arg5[%swap3A_18, %swap3A_19], %mul3A_17 {strides = array<i32>} : memref<2000x128xf32, #tpu.memory_space<vmem>>, vector<2000x128xf32>,
    return
  }
  func.func @transform_0(%arg0: i32) -> (i32, i32) {
    %c0_i32 = arith.constant 0 : i32
    %c0_i32_0 = arith.constant 0 : i32
    return %arg0, %c0_i32 : i32, i32
  }
  func.func @transform_1(%arg0: i32) -> (i32, i32) {
    %c0_i32 = arith.constant 0 : i32
    %c0_i32_0 = arith.constant 0 : i32
    %c0_i32_1 = arith.constant 0 : i32
    return %c0_i32, %c0_i32_0 : i32, i32
  }
  func.func @transform_2(%arg0: i32) -> (i32, i32) {
    %c0_i32 = arith.constant 0 : i32
    %c0_i32_0 = arith.constant 0 : i32
    return %arg0, %c0_i32 : i32, i32
  }
  func.func @transform_3(%arg0: i32) -> (i32, i32) {
    %c0_i32 = arith.constant 0 : i32
    %c0_i32_0 = arith.constant 0 : i32
    return %arg0, %c0_i32 : i32, i32
  }
  func.func @transform_4(%arg0: i32) -> (i32, i32) {
    %c0_i32 = arith.constant 0 : i32
    %c0_i32_0 = arith.constant 0 : i32
    return %arg0, %c0_i32 : i32, i32
  }
  func.func @transform_5(%arg0: i32) -> (i32, i32) {
    %c0_i32 = arith.constant 0 : i32
    %c0_i32_0 = arith.constant 0 : i32
    return %arg0, %c0_i32 : i32, i32
  }
}

module attributes {stable_mosaic.version = 14 : i64} {
  func.func @tc_c_body(%arg0: i32, %arg1: memref<2000x128xf32, #tpu.memory_space<vmem>>, %arg2: memref<2000x128xf32, #tpu.memory_space<vmem>>, %arg3: memref<2000x128xf32, #tpu.memory_space<vmem>>, %arg4: memref<2000x128xf32, #tpu.memory_space<vmem>>, %arg5: memref<2000x1xf32, #tpu.memory_space<vmem>>, %arg6: memref<1x128xf32, #tpu.memory_space<vmem>>, %arg7: memref<128x128xf32, #tpu.memory_space<vmem>>, %arg8: memref<1x128xf32, #tpu.memory_space<vmem>>, %arg9: memref<1x128xf32, #tpu.memory_space<vmem>>, %arg10: memref<1x128xf32, #tpu.memory_space<vmem>>, %arg11: memref<1x128xf32, #tpu.memory_space<vmem>>, %arg12: memref<1x128xf32, #tpu.memory_space<vmem>>, %arg13: memref<128x128xf32, #tpu.memory_space<vmem>>, %arg14: memref<2000x128xf32, #tpu.memory_space<vmem>>, %arg15: memref<2000x128xf32, #tpu.memory_space<vmem>>) attributes {dimension_semantics = [#tpu.dimension_semantics<arbitrary>], iteration_bounds = array<i64: 5>, scalar_prefetch = 0 : i64, scratch_operands = 0 : i64, tpu.core_type = #tpu.core_type<tc>, window_params = [{transform_indices = @transform_0, window_bounds = array<i64: 2000, 128>}, {transform_indices = @transform_1, window_bounds = array<i64: 2000, 128>}, {transform_indices = @transform_2, window_bounds = array<i64: 2000, 128>}, {transform_indices = @transform_3, window_bounds = array<i64: 2000, 128>}, {transform_indices = @transform_4, window_bounds = array<i64: 2000, 1>}, {pipeline_mode = #tpu.pipeline_mode<synchronous>, transform_indices = @transform_5, window_bounds = array<i64: 1, 128>}, {pipeline_mode = #tpu.pipeline_mode<synchronous>, transform_indices = @transform_6, window_bounds = array<i64: 128, 128>}, {pipeline_mode = #tpu.pipeline_mode<synchronous>, transform_indices = @transform_7, window_bounds = array<i64: 1, 128>}, {pipeline_mode = #tpu.pipeline_mode<synchronous>, transform_indices = @transform_8, window_bounds = array<i64: 1, 128>}, {pipeline_mode = #tpu.pipeline_mode<synchronous>, transform_indices = @transform_9, window_bounds = array<i64: 1, 128>}, {pipeline_mode = #tpu.pipeline_mode<synchronous>, transform_indices = @transform_10, window_bounds = array<i64: 1, 128>}, {pipeline_mode = #tpu.pipeline_mode<synchronous>, transform_indices = @transform_11, window_bounds = array<i64: 1, 128>}, {pipeline_mode = #tpu.pipeline_mode<synchronous>, transform_indices = @transform_12, window_bounds = array<i64: 128, 128>}, {transform_indices = @transform_13, window_bounds = array<i64: 2000, 128>}, {transform_indices = @transform_14, window_bounds = array<i64: 2000, 128>}]} {
    %get3A = arith.constant 0 : index
    %get3A_0 = arith.constant 0 : index
    %get3A_1 = vector.load %arg5[%get3A, %get3A_0] : memref<2000x1xf32, #tpu.memory_space<vmem>>, vector<2000x1xf32>
    %get3A_2 = arith.constant 0 : index
    %get3A_3 = arith.constant 0 : index
    %get3A_4 = vector.load %arg1[%get3A_2, %get3A_3] : memref<2000x128xf32, #tpu.memory_space<vmem>>, vector<2000x128xf32>
    %get3A_5 = arith.constant 0 : index
    %get3A_6 = arith.constant 0 : index
    %get3A_7 = vector.load %arg2[%get3A_5, %get3A_6] : memref<2000x128xf32, #tpu.memory_space<vmem>>, vector<2000x128xf32>
    %add3A = arith.addf %get3A_4, %get3A_7 : vector<2000x128xf32>
    %get3A_8 = arith.constant 0 : index
    %get3A_9 = arith.constant 0 : index
    %get3A_10 = vector.load %arg3[%get3A_8, %get3A_9] : memref<2000x128xf32, #tpu.memory_space<vmem>>, vector<2000x128xf32>
    %add3A_11 = arith.addf %add3A, %get3A_10 : vector<2000x128xf32>
    %mul3A = vector.broadcast %get3A_1 : vector<2000x1xf32> to vector<2000x128xf32>
    %mul3A_12 = arith.mulf %mul3A, %add3A_11 : vector<2000x128xf32>
    %get3A_13 = arith.constant 0 : index
    %get3A_14 = arith.constant 0 : index
    %get3A_15 = vector.load %arg6[%get3A_13, %get3A_14] : memref<1x128xf32, #tpu.memory_space<vmem>>, vector<1x128xf32>
    %add3A_16 = vector.broadcast %get3A_15 : vector<1x128xf32> to vector<2000x128xf32>
    %add3A_17 = arith.addf %mul3A_12, %add3A_16 : vector<2000x128xf32>
    %get3A_18 = arith.constant 0 : index
    %get3A_19 = arith.constant 0 : index
    %get3A_20 = vector.load %arg4[%get3A_18, %get3A_19] : memref<2000x128xf32, #tpu.memory_space<vmem>>, vector<2000x128xf32>
    %add3A_21 = arith.addf %add3A_17, %get3A_20 : vector<2000x128xf32>
    %max3A = arith.constant 0.000000e+00 : f32
    %max3A_22 = vector.broadcast %max3A : f32 to vector<2000x128xf32>
    %max3A_23 = arith.maximumf %add3A_21, %max3A_22 : vector<2000x128xf32>
    %get3A_24 = arith.constant 0 : index
    %get3A_25 = arith.constant 0 : index
    %get3A_26 = vector.load %arg7[%get3A_24, %get3A_25] : memref<128x128xf32, #tpu.memory_space<vmem>>, vector<128x128xf32>
    %dot_general3A = arith.constant dense<0.000000e+00> : vector<2000x128xf32>
    %dot_general3A_27 = tpu.matmul %max3A_23, %get3A_26, %dot_general3A {dimension_numbers = #tpu.dot_dimension_numbers<[1], [0], [0], [1], [0, 0, 1, 1], [], []>, precision = #tpu.contract_precision<fp32>, transpose_lhs_hint = false} : vector<2000x128xf32>, vector<128x128xf32>, vector<2000x128xf32> -> vector<2000x128xf32>
    %get3A_28 = arith.constant 0 : index
    %get3A_29 = arith.constant 0 : index
    %get3A_30 = vector.load %arg8[%get3A_28, %get3A_29] : memref<1x128xf32, #tpu.memory_space<vmem>>, vector<1x128xf32>
    %add3A_31 = vector.broadcast %get3A_30 : vector<1x128xf32> to vector<2000x128xf32>
    %add3A_32 = arith.addf %dot_general3A_27, %add3A_31 : vector<2000x128xf32>
    %ge3A = arith.constant 0.000000e+00 : f32
    %ge3A_33 = vector.broadcast %ge3A : f32 to vector<2000x128xf32>
    %ge3A_34 = arith.cmpf oge, %add3A_32, %ge3A_33 : vector<2000x128xf32>
    %mul3A_35 = arith.constant 0.00999999977 : f32
    %mul3A_36 = vector.broadcast %mul3A_35 : f32 to vector<2000x128xf32>
    %mul3A_37 = arith.mulf %mul3A_36, %add3A_32 : vector<2000x128xf32>
    %select_n3A = arith.select %ge3A_34, %add3A_32, %mul3A_37 : vector<2000x128xi1>, vector<2000x128xf32>
    %add3A_38 = arith.addf %select_n3A, %max3A_23 : vector<2000x128xf32>
    %max3A_39 = arith.constant 0.000000e+00 : f32
    %max3A_40 = vector.broadcast %max3A_39 : f32 to vector<2000x128xf32>
    %max3A_41 = arith.maximumf %add3A_38, %max3A_40 : vector<2000x128xf32>
    %get3A_42 = arith.constant 0 : index
    %get3A_43 = arith.constant 0 : index
    %get3A_44 = vector.load %arg11[%get3A_42, %get3A_43] : memref<1x128xf32, #tpu.memory_space<vmem>>, vector<1x128xf32>
    %sub3A = vector.broadcast %get3A_44 : vector<1x128xf32> to vector<2000x128xf32>
    %sub3A_45 = arith.subf %max3A_41, %sub3A : vector<2000x128xf32>
    %get3A_46 = arith.constant 0 : index
    %get3A_47 = arith.constant 0 : index
    %get3A_48 = vector.load %arg12[%get3A_46, %get3A_47] : memref<1x128xf32, #tpu.memory_space<vmem>>, vector<1x128xf32>
    %add3A_49 = arith.constant 9.99999974E-6 : f32
    %add3A_50 = vector.broadcast %add3A_49 : f32 to vector<1x128xf32>
    %add3A_51 = arith.addf %get3A_48, %add3A_50 : vector<1x128xf32>
    %rsqrt3A = math.rsqrt %add3A_51 : vector<1x128xf32>
    %mul3A_52 = vector.broadcast %rsqrt3A : vector<1x128xf32> to vector<2000x128xf32>
    %mul3A_53 = arith.mulf %sub3A_45, %mul3A_52 : vector<2000x128xf32>
    %get3A_54 = arith.constant 0 : index
    %get3A_55 = arith.constant 0 : index
    %get3A_56 = vector.load %arg9[%get3A_54, %get3A_55] : memref<1x128xf32, #tpu.memory_space<vmem>>, vector<1x128xf32>
    %mul3A_57 = vector.broadcast %get3A_56 : vector<1x128xf32> to vector<2000x128xf32>
    %mul3A_58 = arith.mulf %mul3A_53, %mul3A_57 : vector<2000x128xf32>
    %get3A_59 = arith.constant 0 : index
    %get3A_60 = arith.constant 0 : index
    %get3A_61 = vector.load %arg10[%get3A_59, %get3A_60] : memref<1x128xf32, #tpu.memory_space<vmem>>, vector<1x128xf32>
    %add3A_62 = vector.broadcast %get3A_61 : vector<1x128xf32> to vector<2000x128xf32>
    %add3A_63 = arith.addf %mul3A_58, %add3A_62 : vector<2000x128xf32>
    %add3A_64 = arith.addf %add3A_63, %max3A_41 : vector<2000x128xf32>
    %max3A_65 = arith.constant 0.000000e+00 : f32
    %max3A_66 = vector.broadcast %max3A_65 : f32 to vector<2000x128xf32>
    %max3A_67 = arith.maximumf %add3A_64, %max3A_66 : vector<2000x128xf32>
    %swap3A = arith.constant 0 : index
    %swap3A_68 = arith.constant 0 : index
    %swap3A_69 = vector.load %arg14[%swap3A, %swap3A_68] : memref<2000x128xf32, #tpu.memory_space<vmem>>, vector<2000x128xf32>
    tpu.vector_store %arg14[%swap3A, %swap3A_68], %max3A_67 {strides = array<i32>} : memref<2000x128xf32, #tpu.memory_space<vmem>>, vector<2000x128xf32>,
    %get3A_70 = arith.constant 0 : index
    %get3A_71 = arith.constant 0 : index
    %get3A_72 = vector.load %arg13[%get3A_70, %get3A_71] : memref<128x128xf32, #tpu.memory_space<vmem>>, vector<128x128xf32>
    %dot_general3A_73 = arith.constant dense<0.000000e+00> : vector<2000x128xf32>
    %dot_general3A_74 = tpu.matmul %max3A_67, %get3A_72, %dot_general3A_73 {dimension_numbers = #tpu.dot_dimension_numbers<[1], [0], [0], [1], [0, 0, 1, 1], [], []>, precision = #tpu.contract_precision<fp32>, transpose_lhs_hint = false} : vector<2000x128xf32>, vector<128x128xf32>, vector<2000x128xf32> -> vector<2000x128xf32>
    %mul3A_75 = vector.broadcast %get3A_1 : vector<2000x1xf32> to vector<2000x128xf32>
    %mul3A_76 = arith.mulf %mul3A_75, %dot_general3A_74 : vector<2000x128xf32>
    %swap3A_77 = arith.constant 0 : index
    %swap3A_78 = arith.constant 0 : index
    %swap3A_79 = vector.load %arg15[%swap3A_77, %swap3A_78] : memref<2000x128xf32, #tpu.memory_space<vmem>>, vector<2000x128xf32>
    tpu.vector_store %arg15[%swap3A_77, %swap3A_78], %mul3A_76 {strides = array<i32>} : memref<2000x128xf32, #tpu.memory_space<vmem>>, vector<2000x128xf32>,
    return
  }
  func.func @transform_0(%arg0: i32) -> (i32, i32) {
    %c0_i32 = arith.constant 0 : i32
    %c0_i32_0 = arith.constant 0 : i32
    return %arg0, %c0_i32 : i32, i32
  }
  func.func @transform_1(%arg0: i32) -> (i32, i32) {
    %c0_i32 = arith.constant 0 : i32
    %c0_i32_0 = arith.constant 0 : i32
    return %arg0, %c0_i32 : i32, i32
  }
  func.func @transform_2(%arg0: i32) -> (i32, i32) {
    %c0_i32 = arith.constant 0 : i32
    %c0_i32_0 = arith.constant 0 : i32
    return %arg0, %c0_i32 : i32, i32
  }
  func.func @transform_3(%arg0: i32) -> (i32, i32) {
    %c0_i32 = arith.constant 0 : i32
    %c0_i32_0 = arith.constant 0 : i32
    return %arg0, %c0_i32 : i32, i32
  }
  func.func @transform_4(%arg0: i32) -> (i32, i32) {
    %c0_i32 = arith.constant 0 : i32
    %c0_i32_0 = arith.constant 0 : i32
    return %arg0, %c0_i32 : i32, i32
  }
  func.func @transform_5(%arg0: i32) -> (i32, i32) {
    %c0_i32 = arith.constant 0 : i32
    %c0_i32_0 = arith.constant 0 : i32
    %c0_i32_1 = arith.constant 0 : i32
    return %c0_i32, %c0_i32_0 : i32, i32
  }
  func.func @transform_6(%arg0: i32) -> (i32, i32) {
    %c0_i32 = arith.constant 0 : i32
    %c0_i32_0 = arith.constant 0 : i32
    %c0_i32_1 = arith.constant 0 : i32
    return %c0_i32, %c0_i32_0 : i32, i32
  }
  func.func @transform_7(%arg0: i32) -> (i32, i32) {
    %c0_i32 = arith.constant 0 : i32
    %c0_i32_0 = arith.constant 0 : i32
    %c0_i32_1 = arith.constant 0 : i32
    return %c0_i32, %c0_i32_0 : i32, i32
  }
  func.func @transform_8(%arg0: i32) -> (i32, i32) {
    %c0_i32 = arith.constant 0 : i32
    %c0_i32_0 = arith.constant 0 : i32
    %c0_i32_1 = arith.constant 0 : i32
    return %c0_i32, %c0_i32_0 : i32, i32
  }
  func.func @transform_9(%arg0: i32) -> (i32, i32) {
    %c0_i32 = arith.constant 0 : i32
    %c0_i32_0 = arith.constant 0 : i32
    %c0_i32_1 = arith.constant 0 : i32
    return %c0_i32, %c0_i32_0 : i32, i32
  }
  func.func @transform_10(%arg0: i32) -> (i32, i32) {
    %c0_i32 = arith.constant 0 : i32
    %c0_i32_0 = arith.constant 0 : i32
    %c0_i32_1 = arith.constant 0 : i32
    return %c0_i32, %c0_i32_0 : i32, i32
  }
  func.func @transform_11(%arg0: i32) -> (i32, i32) {
    %c0_i32 = arith.constant 0 : i32
    %c0_i32_0 = arith.constant 0 : i32
    %c0_i32_1 = arith.constant 0 : i32
    return %c0_i32, %c0_i32_0 : i32, i32
  }
  func.func @transform_12(%arg0: i32) -> (i32, i32) {
    %c0_i32 = arith.constant 0 : i32
    %c0_i32_0 = arith.constant 0 : i32
    %c0_i32_1 = arith.constant 0 : i32
    return %c0_i32, %c0_i32_0 : i32, i32
  }
  func.func @transform_13(%arg0: i32) -> (i32, i32) {
    %c0_i32 = arith.constant 0 : i32
    %c0_i32_0 = arith.constant 0 : i32
    return %arg0, %c0_i32 : i32, i32
  }
  func.func @transform_14(%arg0: i32) -> (i32, i32) {
    %c0_i32 = arith.constant 0 : i32
    %c0_i32_0 = arith.constant 0 : i32
    return %arg0, %c0_i32 : i32, i32
  }
}

module attributes {stable_mosaic.version = 14 : i64} {
  func.func @tc_d_body(%arg0: i32, %arg1: memref<2000x128xf32, #tpu.memory_space<vmem>>, %arg2: memref<2000x128xf32, #tpu.memory_space<vmem>>, %arg3: memref<2000x128xf32, #tpu.memory_space<vmem>>, %arg4: memref<2000x128xf32, #tpu.memory_space<vmem>>, %arg5: memref<2000x1xf32, #tpu.memory_space<vmem>>, %arg6: memref<1x128xf32, #tpu.memory_space<vmem>>, %arg7: memref<128x128xf32, #tpu.memory_space<vmem>>, %arg8: memref<1x128xf32, #tpu.memory_space<vmem>>, %arg9: memref<128x128xf32, #tpu.memory_space<vmem>>, %arg10: memref<1x128xf32, #tpu.memory_space<vmem>>, %arg11: memref<1x128xf32, #tpu.memory_space<vmem>>, %arg12: memref<1x128xf32, #tpu.memory_space<vmem>>, %arg13: memref<1x128xf32, #tpu.memory_space<vmem>>, %arg14: memref<1x128xf32, #tpu.memory_space<vmem>>, %arg15: memref<2000x128xf32, #tpu.memory_space<vmem>>) attributes {dimension_semantics = [#tpu.dimension_semantics<arbitrary>], iteration_bounds = array<i64: 5>, scalar_prefetch = 0 : i64, scratch_operands = 0 : i64, tpu.core_type = #tpu.core_type<tc>, window_params = [{transform_indices = @transform_0, window_bounds = array<i64: 2000, 128>}, {transform_indices = @transform_1, window_bounds = array<i64: 2000, 128>}, {transform_indices = @transform_2, window_bounds = array<i64: 2000, 128>}, {transform_indices = @transform_3, window_bounds = array<i64: 2000, 128>}, {transform_indices = @transform_4, window_bounds = array<i64: 2000, 1>}, {pipeline_mode = #tpu.pipeline_mode<synchronous>, transform_indices = @transform_5, window_bounds = array<i64: 1, 128>}, {pipeline_mode = #tpu.pipeline_mode<synchronous>, transform_indices = @transform_6, window_bounds = array<i64: 128, 128>}, {pipeline_mode = #tpu.pipeline_mode<synchronous>, transform_indices = @transform_7, window_bounds = array<i64: 1, 128>}, {pipeline_mode = #tpu.pipeline_mode<synchronous>, transform_indices = @transform_8, window_bounds = array<i64: 128, 128>}, {pipeline_mode = #tpu.pipeline_mode<synchronous>, transform_indices = @transform_9, window_bounds = array<i64: 1, 128>}, {pipeline_mode = #tpu.pipeline_mode<synchronous>, transform_indices = @transform_10, window_bounds = array<i64: 1, 128>}, {pipeline_mode = #tpu.pipeline_mode<synchronous>, transform_indices = @transform_11, window_bounds = array<i64: 1, 128>}, {pipeline_mode = #tpu.pipeline_mode<synchronous>, transform_indices = @transform_12, window_bounds = array<i64: 1, 128>}, {pipeline_mode = #tpu.pipeline_mode<synchronous>, transform_indices = @transform_13, window_bounds = array<i64: 1, 128>}, {transform_indices = @transform_14, window_bounds = array<i64: 2000, 128>}]} {
    %get3A = arith.constant 0 : index
    %get3A_0 = arith.constant 0 : index
    %get3A_1 = vector.load %arg5[%get3A, %get3A_0] : memref<2000x1xf32, #tpu.memory_space<vmem>>, vector<2000x1xf32>
    %get3A_2 = arith.constant 0 : index
    %get3A_3 = arith.constant 0 : index
    %get3A_4 = vector.load %arg1[%get3A_2, %get3A_3] : memref<2000x128xf32, #tpu.memory_space<vmem>>, vector<2000x128xf32>
    %get3A_5 = arith.constant 0 : index
    %get3A_6 = arith.constant 0 : index
    %get3A_7 = vector.load %arg2[%get3A_5, %get3A_6] : memref<2000x128xf32, #tpu.memory_space<vmem>>, vector<2000x128xf32>
    %add3A = arith.addf %get3A_4, %get3A_7 : vector<2000x128xf32>
    %get3A_8 = arith.constant 0 : index
    %get3A_9 = arith.constant 0 : index
    %get3A_10 = vector.load %arg3[%get3A_8, %get3A_9] : memref<2000x128xf32, #tpu.memory_space<vmem>>, vector<2000x128xf32>
    %add3A_11 = arith.addf %add3A, %get3A_10 : vector<2000x128xf32>
    %mul3A = vector.broadcast %get3A_1 : vector<2000x1xf32> to vector<2000x128xf32>
    %mul3A_12 = arith.mulf %mul3A, %add3A_11 : vector<2000x128xf32>
    %get3A_13 = arith.constant 0 : index
    %get3A_14 = arith.constant 0 : index
    %get3A_15 = vector.load %arg6[%get3A_13, %get3A_14] : memref<1x128xf32, #tpu.memory_space<vmem>>, vector<1x128xf32>
    %add3A_16 = vector.broadcast %get3A_15 : vector<1x128xf32> to vector<2000x128xf32>
    %add3A_17 = arith.addf %mul3A_12, %add3A_16 : vector<2000x128xf32>
    %get3A_18 = arith.constant 0 : index
    %get3A_19 = arith.constant 0 : index
    %get3A_20 = vector.load %arg4[%get3A_18, %get3A_19] : memref<2000x128xf32, #tpu.memory_space<vmem>>, vector<2000x128xf32>
    %add3A_21 = arith.addf %add3A_17, %get3A_20 : vector<2000x128xf32>
    %max3A = arith.constant 0.000000e+00 : f32
    %max3A_22 = vector.broadcast %max3A : f32 to vector<2000x128xf32>
    %max3A_23 = arith.maximumf %add3A_21, %max3A_22 : vector<2000x128xf32>
    %get3A_24 = arith.constant 0 : index
    %get3A_25 = arith.constant 0 : index
    %get3A_26 = vector.load %arg7[%get3A_24, %get3A_25] : memref<128x128xf32, #tpu.memory_space<vmem>>, vector<128x128xf32>
    %dot_general3A = arith.constant dense<0.000000e+00> : vector<2000x128xf32>
    %dot_general3A_27 = tpu.matmul %max3A_23, %get3A_26, %dot_general3A {dimension_numbers = #tpu.dot_dimension_numbers<[1], [0], [0], [1], [0, 0, 1, 1], [], []>, precision = #tpu.contract_precision<fp32>, transpose_lhs_hint = false} : vector<2000x128xf32>, vector<128x128xf32>, vector<2000x128xf32> -> vector<2000x128xf32>
    %get3A_28 = arith.constant 0 : index
    %get3A_29 = arith.constant 0 : index
    %get3A_30 = vector.load %arg8[%get3A_28, %get3A_29] : memref<1x128xf32, #tpu.memory_space<vmem>>, vector<1x128xf32>
    %add3A_31 = vector.broadcast %get3A_30 : vector<1x128xf32> to vector<2000x128xf32>
    %add3A_32 = arith.addf %dot_general3A_27, %add3A_31 : vector<2000x128xf32>
    %ge3A = arith.constant 0.000000e+00 : f32
    %ge3A_33 = vector.broadcast %ge3A : f32 to vector<2000x128xf32>
    %ge3A_34 = arith.cmpf oge, %add3A_32, %ge3A_33 : vector<2000x128xf32>
    %mul3A_35 = arith.constant 0.00999999977 : f32
    %mul3A_36 = vector.broadcast %mul3A_35 : f32 to vector<2000x128xf32>
    %mul3A_37 = arith.mulf %mul3A_36, %add3A_32 : vector<2000x128xf32>
    %select_n3A = arith.select %ge3A_34, %add3A_32, %mul3A_37 : vector<2000x128xi1>, vector<2000x128xf32>
    %add3A_38 = arith.addf %select_n3A, %max3A_23 : vector<2000x128xf32>
    %max3A_39 = arith.constant 0.000000e+00 : f32
    %max3A_40 = vector.broadcast %max3A_39 : f32 to vector<2000x128xf32>
    %max3A_41 = arith.maximumf %add3A_38, %max3A_40 : vector<2000x128xf32>
    %get3A_42 = arith.constant 0 : index
    %get3A_43 = arith.constant 0 : index
    %get3A_44 = vector.load %arg9[%get3A_42, %get3A_43] : memref<128x128xf32, #tpu.memory_space<vmem>>, vector<128x128xf32>
    %dot_general3A_45 = arith.constant dense<0.000000e+00> : vector<2000x128xf32>
    %dot_general3A_46 = tpu.matmul %max3A_41, %get3A_44, %dot_general3A_45 {dimension_numbers = #tpu.dot_dimension_numbers<[1], [0], [0], [1], [0, 0, 1, 1], [], []>, precision = #tpu.contract_precision<fp32>, transpose_lhs_hint = false} : vector<2000x128xf32>, vector<128x128xf32>, vector<2000x128xf32> -> vector<2000x128xf32>
    %add3A_47 = arith.addf %max3A_41, %dot_general3A_46 : vector<2000x128xf32>
    %get3A_48 = arith.constant 0 : index
    %get3A_49 = arith.constant 0 : index
    %get3A_50 = vector.load %arg10[%get3A_48, %get3A_49] : memref<1x128xf32, #tpu.memory_space<vmem>>, vector<1x128xf32>
    %add3A_51 = vector.broadcast %get3A_50 : vector<1x128xf32> to vector<2000x128xf32>
    %add3A_52 = arith.addf %add3A_47, %add3A_51 : vector<2000x128xf32>
    %max3A_53 = arith.constant 0.000000e+00 : f32
    %max3A_54 = vector.broadcast %max3A_53 : f32 to vector<2000x128xf32>
    %max3A_55 = arith.maximumf %add3A_52, %max3A_54 : vector<2000x128xf32>
    %get3A_56 = arith.constant 0 : index
    %get3A_57 = arith.constant 0 : index
    %get3A_58 = vector.load %arg13[%get3A_56, %get3A_57] : memref<1x128xf32, #tpu.memory_space<vmem>>, vector<1x128xf32>
    %sub3A = vector.broadcast %get3A_58 : vector<1x128xf32> to vector<2000x128xf32>
    %sub3A_59 = arith.subf %max3A_55, %sub3A : vector<2000x128xf32>
    %get3A_60 = arith.constant 0 : index
    %get3A_61 = arith.constant 0 : index
    %get3A_62 = vector.load %arg14[%get3A_60, %get3A_61] : memref<1x128xf32, #tpu.memory_space<vmem>>, vector<1x128xf32>
    %add3A_63 = arith.constant 9.99999974E-6 : f32
    %add3A_64 = vector.broadcast %add3A_63 : f32 to vector<1x128xf32>
    %add3A_65 = arith.addf %get3A_62, %add3A_64 : vector<1x128xf32>
    %rsqrt3A = math.rsqrt %add3A_65 : vector<1x128xf32>
    %mul3A_66 = vector.broadcast %rsqrt3A : vector<1x128xf32> to vector<2000x128xf32>
    %mul3A_67 = arith.mulf %sub3A_59, %mul3A_66 : vector<2000x128xf32>
    %get3A_68 = arith.constant 0 : index
    %get3A_69 = arith.constant 0 : index
    %get3A_70 = vector.load %arg11[%get3A_68, %get3A_69] : memref<1x128xf32, #tpu.memory_space<vmem>>, vector<1x128xf32>
    %mul3A_71 = vector.broadcast %get3A_70 : vector<1x128xf32> to vector<2000x128xf32>
    %mul3A_72 = arith.mulf %mul3A_67, %mul3A_71 : vector<2000x128xf32>
    %get3A_73 = arith.constant 0 : index
    %get3A_74 = arith.constant 0 : index
    %get3A_75 = vector.load %arg12[%get3A_73, %get3A_74] : memref<1x128xf32, #tpu.memory_space<vmem>>, vector<1x128xf32>
    %add3A_76 = vector.broadcast %get3A_75 : vector<1x128xf32> to vector<2000x128xf32>
    %add3A_77 = arith.addf %mul3A_72, %add3A_76 : vector<2000x128xf32>
    %add3A_78 = arith.addf %add3A_77, %max3A_55 : vector<2000x128xf32>
    %max3A_79 = arith.constant 0.000000e+00 : f32
    %max3A_80 = vector.broadcast %max3A_79 : f32 to vector<2000x128xf32>
    %max3A_81 = arith.maximumf %add3A_78, %max3A_80 : vector<2000x128xf32>
    %swap3A = arith.constant 0 : index
    %swap3A_82 = arith.constant 0 : index
    %swap3A_83 = vector.load %arg15[%swap3A, %swap3A_82] : memref<2000x128xf32, #tpu.memory_space<vmem>>, vector<2000x128xf32>
    tpu.vector_store %arg15[%swap3A, %swap3A_82], %max3A_81 {strides = array<i32>} : memref<2000x128xf32, #tpu.memory_space<vmem>>, vector<2000x128xf32>,
    return
  }
  func.func @transform_0(%arg0: i32) -> (i32, i32) {
    %c0_i32 = arith.constant 0 : i32
    %c0_i32_0 = arith.constant 0 : i32
    return %arg0, %c0_i32 : i32, i32
  }
  func.func @transform_1(%arg0: i32) -> (i32, i32) {
    %c0_i32 = arith.constant 0 : i32
    %c0_i32_0 = arith.constant 0 : i32
    return %arg0, %c0_i32 : i32, i32
  }
  func.func @transform_2(%arg0: i32) -> (i32, i32) {
    %c0_i32 = arith.constant 0 : i32
    %c0_i32_0 = arith.constant 0 : i32
    return %arg0, %c0_i32 : i32, i32
  }
  func.func @transform_3(%arg0: i32) -> (i32, i32) {
    %c0_i32 = arith.constant 0 : i32
    %c0_i32_0 = arith.constant 0 : i32
    return %arg0, %c0_i32 : i32, i32
  }
  func.func @transform_4(%arg0: i32) -> (i32, i32) {
    %c0_i32 = arith.constant 0 : i32
    %c0_i32_0 = arith.constant 0 : i32
    return %arg0, %c0_i32 : i32, i32
  }
  func.func @transform_5(%arg0: i32) -> (i32, i32) {
    %c0_i32 = arith.constant 0 : i32
    %c0_i32_0 = arith.constant 0 : i32
    %c0_i32_1 = arith.constant 0 : i32
    return %c0_i32, %c0_i32_0 : i32, i32
  }
  func.func @transform_6(%arg0: i32) -> (i32, i32) {
    %c0_i32 = arith.constant 0 : i32
    %c0_i32_0 = arith.constant 0 : i32
    %c0_i32_1 = arith.constant 0 : i32
    return %c0_i32, %c0_i32_0 : i32, i32
  }
  func.func @transform_7(%arg0: i32) -> (i32, i32) {
    %c0_i32 = arith.constant 0 : i32
    %c0_i32_0 = arith.constant 0 : i32
    %c0_i32_1 = arith.constant 0 : i32
    return %c0_i32, %c0_i32_0 : i32, i32
  }
  func.func @transform_8(%arg0: i32) -> (i32, i32) {
    %c0_i32 = arith.constant 0 : i32
    %c0_i32_0 = arith.constant 0 : i32
    %c0_i32_1 = arith.constant 0 : i32
    return %c0_i32, %c0_i32_0 : i32, i32
  }
  func.func @transform_9(%arg0: i32) -> (i32, i32) {
    %c0_i32 = arith.constant 0 : i32
    %c0_i32_0 = arith.constant 0 : i32
    %c0_i32_1 = arith.constant 0 : i32
    return %c0_i32, %c0_i32_0 : i32, i32
  }
  func.func @transform_10(%arg0: i32) -> (i32, i32) {
    %c0_i32 = arith.constant 0 : i32
    %c0_i32_0 = arith.constant 0 : i32
    %c0_i32_1 = arith.constant 0 : i32
    return %c0_i32, %c0_i32_0 : i32, i32
  }
  func.func @transform_11(%arg0: i32) -> (i32, i32) {
    %c0_i32 = arith.constant 0 : i32
    %c0_i32_0 = arith.constant 0 : i32
    %c0_i32_1 = arith.constant 0 : i32
    return %c0_i32, %c0_i32_0 : i32, i32
  }
  func.func @transform_12(%arg0: i32) -> (i32, i32) {
    %c0_i32 = arith.constant 0 : i32
    %c0_i32_0 = arith.constant 0 : i32
    %c0_i32_1 = arith.constant 0 : i32
    return %c0_i32, %c0_i32_0 : i32, i32
  }
  func.func @transform_13(%arg0: i32) -> (i32, i32) {
    %c0_i32 = arith.constant 0 : i32
    %c0_i32_0 = arith.constant 0 : i32
    %c0_i32_1 = arith.constant 0 : i32
    return %c0_i32, %c0_i32_0 : i32, i32
  }
  func.func @transform_14(%arg0: i32) -> (i32, i32) {
    %c0_i32 = arith.constant 0 : i32
    %c0_i32_0 = arith.constant 0 : i32
    return %arg0, %c0_i32 : i32, i32
  }
}

</mosaic_0001>

<sc_bundles>
// kernel: kernel.11.cloned.1.call-start
scs
__scs_entry_jumppad:
0x0: {  	(pc) =	sbr.rel $0x88, $3  }
0x1: {  	(tag) =	ssettag $0x0;
	lr =	simm.s32 $0x1  }
0x2: {  	[smem:$0x3F8D] =	sst lr;
	_ =	strace $0xD0000000  }
0x3: {  	_ = 	snop  }
0x4: {  	_ = 	snop  }
0x5: {  	_ = 	snop  }
0x6: {  	_ = 	snop  }
0x7: {  	_ = 	snop  }
__scs_overlays_trampoline_lowered:
0x8: {  	[smem:$0x3F9C] =	sst s0  }
0x9: {  	[smem:$0x3F9D] =	sst s1  }
0xa: {  	[smem:$0x3F9E] =	sst s2  }
0xb: {  	[smem:$0x3F9F] =	sst s3  }
0xc: {  	[smem:$0x3FA0] =	sst s4  }
0xd: {  	[smem:$0x3FA1] =	sst s5  }
0xe: {  	[smem:$0x3FA2] =	sst s6  }
0xf: {  	[smem:$0x3FA3] =	sst s7  }
0x10: {  	[smem:$0x3FA4] =	sst s8  }
0x11: {  	[smem:$0x3FA5] =	sst s9;
	s0 =	simm.s32 @!p0 $0x0  }
0x12: {  	s1 =	sld [smem:$0x3F8B];
	s0 =	simm.s32 @p0 $0x1  }
0x13: {  	[smem:$0x3FA6] =	sst s0;
	s0 =	simm.s32 @!p1 $0x0  }
0x14: {  	s2 =	sld [smem:$0x3F8A];
	s0 =	simm.s32 @p1 $0x1  }
0x15: {  	[smem:$0x3FA7] =	sst s0;
	s0 =	simm.s32 @!p2 $0x0  }
0x16: {  	s3 =	sld [smem:$0x3FDB];
	s0 =	simm.s32 @p2 $0x1  }
0x17: {  	s4 =	simm.s32 $0x1BF5;
	[smem:$0x3FA9] =	sst s0  }
0x18: {  	s0 =	sld [smem:$0x3F8C];
	_ =	swait.ge [sflag:s4], $0x0  }
0x19: {  	s7 =	sld [smem:$0x3F8D]  }
0x1a: {  	s8 =	sadd.s32 $0xFFFFE003, lr  }
0x1b: {  	s9 =	sadd.s32 $0xFFFFFEF7, lr;
	s5 =	simm.s32 $0xFFFFFFFF;
	p2 =	slt.u32 s8, $0xFFFFF086  }
0x1c: {  	p1 =	slt.u32 s9, $0xF7A;
	s5 =	simm.s32 @!p2 $0x0  }
0x1d: {  	s5 =	simm.s32 @p1 $0x1;
	p0 =	seq.s32 s7, s2  }
0x1e: {  	s7 =	smul.u32 @!p0 $0xF7A, s2;
	p2 =	seq.s32 @!p0 s5, $0x0  }
0x1f: {  	s9 =	smul.u32 $0xF7A, s1;
	s8 =	simm.s32 @!p0 $0x1BF5;
	p2 =	por !p2, p0  }
0x20: {  	[sflag:s8] =	ssyncset.s32 @!p0 $0xFFFFF086;
	s6 =	sadd.s32 @!p0 s3, s7;
	s7 =	simm.s32 @!p0 $0x108  }
0x21: {  	s3 =	sadd.s32 s3, s9;
	s6 =	sadd.s32 @!p0 $0x88, s6;
	s7 =	simm.s32 @p2 $0x1082  }
0x22: {  	[simem:s7], [sflag:s8] =	dma.local @!p0 [hbm:s6], $0xF7A  }
0x23: {  	s9 =	sor.u32 $0xD0000000, s2;
	s6 =	simm.s32 $0x108;
	_ =	swait.ge @!p0 [sflag:s8], $0x0  }
0x24: {  	s3 =	sadd.s32 $0x88, s3;
	s6 =	simm.s32 @!p1 $0x1082;
	[sflag:s4] =	ssyncset.s32 $0xFFFFF086  }
0x25: {  	[simem:s6], [sflag:s4] =	dma.local [hbm:s3], $0xF7A  }
0x26: {  	[smem:$0x3F8D] =	sst s1;
	(tag) =	ssettag s2;
	_ =	strace s9  }
0x27: {  	s1 =	sld [smem:$0x3F9D]  }
0x28: {  	s2 =	sld [smem:$0x3F9E]  }
0x29: {  	s4 =	sld [smem:$0x3FA0]  }
0x2a: {  	p0 =	seq.s32 s5, $0x0;
	s5 =	sld [smem:$0x3FA1]  }
0x2b: {  	s6 =	sld [smem:$0x3FA2]  }
0x2c: {  	s7 =	sld [smem:$0x3FA3]  }
0x2d: {  	s3 =	simm.s32 $0x108;
	s8 =	sld [smem:$0x3FA4]  }
0x2e: {  	s3 =	simm.s32 @!p0 $0x1082;
	s9 =	sld [smem:$0x3FA5]  }
0x2f: {  	lr =	sadd.s32 s0, s3;
	s0 =	sld [smem:$0x3F9C]  }
0x30: {  	s3 =	sld [smem:$0x3F9F]  }
0x31: {  	[smem:$0x3FA8] =	sst s10  }
0x32: {  	s10 =	sld [smem:$0x3FA6];
	_ =	sdelay $0x3  }
0x33: {  	p0 =	seq.s32 s10, $0x1;
	s10 =	sld [smem:$0x3FA8];
	_ =	sdelay $0x3  }
0x34: {  	[smem:$0x3FA8] =	sst s10  }
0x35: {  	s10 =	sld [smem:$0x3FA7];
	_ =	sdelay $0x3  }
0x36: {  	p1 =	seq.s32 s10, $0x1;
	s10 =	sld [smem:$0x3FA8];
	_ =	sdelay $0x3  }
0x37: {  	[smem:$0x3FA8] =	sst s10  }
0x38: {  	s10 =	sld [smem:$0x3FA9]  }
0x39: {  	_ = 	snop;
	(pc) =	sbr.ind lr, $3  }
0x3a: {  	_ = 	snop  }
0x3b: {  	_ = 	snop  }
0x3c: {  	p2 =	seq.s32 s10, $0x1;
	s10 =	sld [smem:$0x3FA8]  }
0x3d: {  	_ =	shalt  }
0x3e: {  	_ =	shalt  }
0x3f: {  	_ =	shalt  }
0x40: {  	_ =	shalt  }
0x41: {  	_ =	shalt  }
0x42: {  	_ =	shalt  }
0x43: {  	_ =	shalt  }
0x44: {  	_ =	shalt  }
0x45: {  	_ =	shalt  }
0x46: {  	_ =	shalt  }
0x47: {  	_ =	shalt  }
0x48: {  	_ =	shalt  }
0x49: {  	_ =	shalt  }
0x4a: {  	_ =	shalt  }
0x4b: {  	_ =	shalt  }
0x4c: {  	_ =	shalt  }
0x4d: {  	_ =	shalt  }
0x4e: {  	_ =	shalt  }
0x4f: {  	_ =	shalt  }
0x50: {  	_ =	shalt  }
0x51: {  	_ =	shalt  }
0x52: {  	_ =	shalt  }
0x53: {  	_ =	shalt  }
0x54: {  	_ =	shalt  }
0x55: {  	_ =	shalt  }
0x56: {  	_ =	shalt  }
0x57: {  	_ =	shalt  }
0x58: {  	_ =	shalt  }
0x59: {  	_ =	shalt  }
0x5a: {  	_ =	shalt  }
0x5b: {  	_ =	shalt  }
0x5c: {  	_ =	shalt  }
0x5d: {  	_ =	shalt  }
0x5e: {  	_ =	shalt  }
0x5f: {  	_ =	shalt  }
0x60: {  	_ =	shalt  }
0x61: {  	_ =	shalt  }
0x62: {  	_ =	shalt  }
0x63: {  	_ =	shalt  }
0x64: {  	_ =	shalt  }
0x65: {  	_ =	shalt  }
0x66: {  	_ =	shalt  }
0x67: {  	_ =	shalt  }
0x68: {  	_ =	shalt  }
0x69: {  	_ =	shalt  }
0x6a: {  	_ =	shalt  }
0x6b: {  	_ =	shalt  }
0x6c: {  	_ =	shalt  }
0x6d: {  	_ =	shalt  }
0x6e: {  	_ =	shalt  }
0x6f: {  	_ =	shalt  }
0x70: {  	_ =	shalt  }
0x71: {  	_ =	shalt  }
0x72: {  	_ =	shalt  }
0x73: {  	_ =	shalt  }
0x74: {  	_ =	shalt  }
0x75: {  	_ =	shalt  }
0x76: {  	_ =	shalt  }
0x77: {  	_ =	shalt  }
0x78: {  	_ =	shalt  }
0x79: {  	_ =	shalt  }
0x7a: {  	_ =	shalt  }
0x7b: {  	_ =	shalt  }
0x7c: {  	_ =	shalt  }
0x7d: {  	_ =	shalt  }
0x7e: {  	_ =	shalt  }
0x7f: {  	_ =	shalt  }
0x80: {  	_ =	shalt  }
0x81: {  	_ =	shalt  }
0x82: {  	_ =	shalt  }
0x83: {  	_ =	shalt  }
0x84: {  	_ =	shalt  }
0x85: {  	_ =	shalt  }
0x86: {  	_ =	shalt  }
0x87: {  	_ =	shalt  }
.Lfunc_end0:
.L_simem_size_0:
called_computation.1_lowered:
.L_overlay_start_0:
0x88: {  	s2 =	sld [smem:$0x3FD9]  }
0x89: {  	s3 =	sld [smem:$0x3FFE];
	_ =	sdelay $0x1  }
0x8a: {  	s1 =	srdreg.scid  }
0x8b: {  	s0 =	sand.u32 $0x1, s1  }
0x8c: {  	s17 =	sshll.u32 s0, $0xA;
	s2 =	sadd.s32 s3, s2  }
0x8d: {  	s2 =	sadd.s32 s2, s17  }
0x8e: {  	[smem:$0x3FB4] =	sst s2  }
0x8f: {  	_ = 	snop  }
0x90: {  	s2 =	sld [smem:$0x3FD0];
	(tm) =	ssettm $0x1  }
0x91: {  	s18 =	sld [smem:$0x3FFB];
	_ =	sdelay $0x3  }
0x92: {  	_ =	strace s18  }
0x93: {  	s3 =	sld [smem:$0x3FFC];
	_ =	sdelay $0x3  }
0x94: {  	_ =	strace s3  }
0x95: {  	s3 =	sld [smem:$0x3FFD];
	_ =	sdelay $0x3  }
0x96: {  	_ =	strace s3  }
0x97: {  	_ =	strace $0x8FFFFFFF  }
0x98: {  	s19 =	sld [smem:$0x3FDB];
	_ =	sdelay $0x1  }
0x99: {  	s4 =	simm.s32 $_scs_section_size  }
0x9a: {  	s5 =	simm.s32 $_size__tile_overlayer_lowered;
	s6 =	simm.s32 $_tile_overlayer_lowered  }
0x9b: {  	s22 =	simm.s32 $0x1BFF;
	s21 =	sshll.u32 s6, $0x1;
	s3 =	sadd.s32 s4, s19  }
0x9c: {  	s7 =	simm.s32 $0x0;
	s20 =	sshll.u32 s5, $0x1;
	s5 =	sadd.s32 s21, s3  }
0x9d: {  	[timem:s7], [sflag:s22] =	dma.local [hbm:s5], s20  }
0x9e: {  	_ =	swait.ge [sflag:s22], s20  }
0x9f: {  	s4 =	ssub.s32 $0x0, s20;
	[sflag:s22] =	ssyncset.done $0x0  }
0xa0: {  	[sflag:s22] =	ssyncadd.s32 s4;
	_ =	sdelay $0x1  }
0xa1: {  	s23 =	simm.s32 $0x1B8B  }
0xa2: {  	_ =	swait.ge [sflag:s23], $0x1  }
0xa3: {  	[sflag:s23] =	ssyncset.done $0x0  }
0xa4: {  	s25 =	simm.s32 $0x1B8E;
	s24 =	sld [smem:$0x3FFE];
	[sflag:s23] =	ssyncadd.s32 $0xFFFFFFFF  }
0xa5: {  	s26 =	simm.s32 $execute0_lowered;
	[smem:$0x3FD2] =	sst s25  }
0xa6: {  	s5 =	sshll.u32 s26, $0x1;
	_ =	strace $0x80000049;
	[dreg:$0x1] =	wrdreg $0xFFFFFFFF  }
0xa7: {  	s28 =	simm.s32 $_size_execute0_lowered;
	s3 =	sadd.s32 s3, s5;
	[dreg:$0x0] =	wrdreg $0x0  }
0xa8: {  	s5 =	sshll.u32 s28, $0x1;
	[dreg:$0x2] =	wrdreg s3  }
0xa9: {  	[dreg:$0x3] =	wrdreg s5  }
0xaa: {  	[dreg:$0x4] =	wrdreg $0xC0  }
0xab: {  	_ =	task [dreg:s7], $0x5FFFF  }
0xac: {  	[dreg:$0x1] =	wrdreg $0xFFFFFFFF  }
0xad: {  	[dreg:$0x0] =	wrdreg $0x60  }
0xae: {  	[dreg:$0x2] =	wrdreg s2  }
0xaf: {  	[dreg:$0x3] =	wrdreg s24  }
0xb0: {  	[dreg:$0x4] =	wrdreg $0x82000  }
0xb1: {  	[dreg:$0x5] =	wrdreg $0x9  }
0xb2: {  	_ =	task.clear_ibuf [dreg:s7], $0x6FFFF;
	_ =	strace $0x90000049  }
0xb3: {  	s29 =	simm.s32 $0x9;
	_ =	strace $0x8000004B  }
0xb4: {  	_ =	swait.ge [sflag:s29], $0x1  }
0xb5: {  	[sflag:s29] =	ssyncadd.s32 $0xFFFFFFFF  }
0xb6: {  	_ =	strace $0x9000004B  }
0xb7: {  	_ =	sfence  }
0xb8: {  	s30 =	sld [smem:$0x0];
	_ =	sdelay $0x2  }
0xb9: {  	s31 =	sshll.u32 s1, $0xD;
	s1 =	sshrl.u32 s1, $0x2  }
0xba: {  	s3 =	sand.u32 $0x4000, s31;
	s1 =	sadd.s32 s1, s30  }
0xbb: {  	s0 =	sor.u32 s3, s0;
	s1 =	sshll.u32 s1, $0x11  }
0xbc: {  	s0 =	sor.u32 s1, s0  }
0xbd: {  	s0 =	sadd.s32 $0x8F2B, s0  }
0xbe: {  	[sflag:s0] =	ssyncadd.remote.s32 $0x1  }
0xbf: {  	_ =	sfence.sel $0xFFFF  }
0xc0: {  	[dreg:$0x0] =	wrdreg $0xFFFFFFFF;
	(pc) =	sbr.abs _section_cstart, $3  }
0xc1: {  	[dreg:$0x1] =	wrdreg $0xFFFFFFFF  }
0xc2: {  	_ =	task.clear_ibuf [dreg:s7], $0x2FFFF;
	_ =	strace $0x9FFFFFFF  }
0xc3: {  	(tm) =	ssettm $0x7FFFFFFF  }
tec
execute0_lowered:
.L_overlay_start_1:
0x0: {  	(tag) =	ssettag $0x1  }
0x1: {  	s1 =	rddreg [dreg:$0x0]  }
0x2: {  	s6 =	rddreg [dreg:$0x1]  }
0x3: {  	s2 =	rddreg [dreg:$0x2]  }
0x4: {  	s3 =	srdreg.scid;
	s4 =	simm.s32 $0x0;
	s0 =	stileid.u32  }
0x5: {  	s15 =	simm.s32 $0x200;
	s17 =	simm.s32 $0x3;
	s18 =	simm.s32 $0x2  }
0x6: {  	s19 =	simm.s32 $0x180;
	s20 =	simm.s32 $0x4200;
	s9 =	smul.u32 $0x14000, s0  }
0x7: {  	s21 =	simm.s32 $0x1;
	s22 =	simm.s32 $0x0;
	s24 =	smul.u32 $0x4F00, s0  }
0x8: {  	s7 =	sand.u32 $0x1, s3;
	[smem:$0x7FF] =	sst s4;
	s12 =	smul.u32 $0x50000, s0  }
0x9: {  	s11 =	sadd.s32 $0x5000, s6;
	s5 =	sadd.s32 $0x3FE00, s6;
	s8 =	smul.u32 $0x140000, s7  }
0xa: {  	s30 =	sshll.u32 s0, $0x6;
	s10 =	smul.u32 $0x4F000, s7;
	s7 =	ssub.s32 $0x2, s7  }
0xb: {  	_ =	strace $0x8000004A;
	s25 =	sshrl.u32 s7, $0x1;
	s28 =	sshrl.u32 s12, $0x2  }
0xc: {  	s8 =	sadd.s32 s9, s8;
	s9 =	sadd.s32 s24, s10;
	s26 =	ssub.s32 s7, s25  }
0xd: {  	s12 =	sadd.s32 s28, s2;
	s7 =	sor.u32 $0x1C05, s30;
	s8 =	sshrl.u32 s8, $0x3  }
0xe: {  	s29 =	sshrl.u32 s9, $0x3;
	s14 =	sadd.s32 $0x200, s9;
	s10 =	smax.u32 s26, $0x1  }
0xf: {  	s12 =	sshrl.u32 s12, $0x3;
	s13 =	sadd.s32 s8, s6;
	s6 =	sadd.s32 s11, s29  }
0x10: {  	s31 =	sshrl.u32 s14, $0x3;
	s14 =	simm.s32 $0x80;
	s8 =	sadd.s32 $0x20, s6  }
0x11: {  	s9 =	sadd.s32 $0x42600, s13;
	s11 =	sadd.s32 s31, s11;
	s13 =	simm.s32 $0x5  }
.LBB2_1:
0x12: {  	[spmem:s12], [sflag:s7] =	dma.local [hbm:s5], $0x2800  }
0x13: {  	_ =	swait.ge [sflag:s13], $0x2800  }
0x14: {  	[sflag:s13] =	ssyncset.done $0x0  }
0x15: {  	[sflag:s13] =	ssyncadd.s32 $0xFFFFD800  }
0x16: {  	[bflag:$0x0] =	sbarrier.arrive $0xFFFF  }
0x17: {  	[tilespmem:s4], [sflag:$0x5] =	stream.linear.gather [hbm4b:s6+s4], $0x100, $0x38;
	[tilespmem:$0x1C200] =	vst v63  }
0x18: {  	_ =	swait.ge [sflag:s13], $0x100  }
0x19: {  	s25 =	sand.u32 $0x1, s4;
	[sflag:s13] =	ssyncset.done $0x0  }
0x1a: {  	s23 =	sxor.u32 $0x1, s25;
	[sflag:s13] =	ssyncadd.s32 $0xFFFFFF00  }
0x1b: {  	[tilespmem:s15], [sflag:$0x1] =	stream.indirect.gather [hbm4b:s1+s14], $0x80, s4, s14, $0xb8;
	[tilespmem:$0x1C200] =	vst v63  }
0x1c: {  	s0 =	simm.s32 $0x100;
	s26 =	simm.s32 $0x1;
	s24 =	sadd.s32 $0x3, s23  }
0x1d: {  	[tilespmem:s0], [sflag:$0x4] =	stream.linear.gather [hbm4b:s8+s4], $0x100, $0x38;
	[tilespmem:$0x1C200] =	vst v63  }
0x1e: {  	s29 =	sadd.s32 $0x1, s25;
	s16 =	sshll.u32 s25, $0xE;
	_ =	swait.ge [sflag:s24], $0x100  }
0x1f: {  	s28 =	sshll.u32 s23, $0xE;
	s30 =	sadd.s32 $0x1, s23;
	[sflag:s24] =	ssyncset.done $0x0  }
0x20: {  	s23 =	sshll.u32 s23, $0x8;
	s3 =	sor.u32 $0x200, s28;
	[sflag:s24] =	ssyncadd.s32 $0xFFFFFF00  }
0x21: {  	[tilespmem:s3], [sflag:s30] =	stream.indirect.gather [hbm4b:s1+s14], $0x80, s23, s14, $0xb8;
	[tilespmem:$0x1C200] =	vst v63  }
0x22: {  	s31 =	sadd.s32 $0x3, s25;
	s28 =	sshll.u32 s25, $0x8;
	_ =	swait.ge [sflag:s29], $0x4000  }
0x23: {  	s24 =	sor.u32 $0x200, s16;
	s30 =	simm.s32 $0x2;
	[sflag:s29] =	ssyncset.done $0x0  }
0x24: {  	s23 =	sadd.s32 $0x20, s11;
	[sflag:s29] =	ssyncadd.s32 $0xFFFFC000;
	s29 =	sor.u32 $0x80, s28  }
0x25: {  	[spmem:s2] =	stream.indirect.scatter.add.f32 [tilespmem:s24], [sflag:$0x5], $0x80, s29, s14, $0xb8;
	[tilespmem:$0x1C200] =	vst v63  }
0x26: {  	s24 =	sand.u32 $0x1, s26;
	s29 =	smov.u32 s11;
	_ =	swait.ge [sflag:s13], $0x4000  }
0x27: {  	s26 =	sxor.u32 $0x1, s24;
	s25 =	sshll.u32 s24, $0xE;
	[sflag:s13] =	ssyncset.done $0x0  }
.LBB2_2:
0x28: {  	s0 =	sadd.s32 $0x3, s26;
	[sflag:s13] =	ssyncadd.s32 $0xFFFFC000;
	s3 =	smov.u32 s30  }
0x29: {  	s16 =	sadd.s32 $0x1, s30;
	p0 =	sne.s32 s30, $0x4C;
	s30 =	sadd.s32 $0x1, s24  }
0x2a: {  	[tilespmem:s28], [sflag:s31] =	stream.linear.gather [hbm4b:s29+s4], $0x100, $0x38;
	[tilespmem:$0x1C200] =	vst v63  }
0x2b: {  	s28 =	sshll.u32 s26, $0xE;
	s29 =	sadd.s32 $0x1, s26;
	_ =	swait.ge [sflag:s0], $0x100  }
0x2c: {  	s26 =	sshll.u32 s26, $0x8;
	s31 =	sadd.s32 $0x3, s24;
	[sflag:s0] =	ssyncset.done $0x0  }
0x2d: {  	[sflag:s0] =	ssyncadd.s32 $0xFFFFFF00;
	s0 =	sor.u32 $0x200, s28;
	s28 =	sshll.u32 s24, $0x8  }
0x2e: {  	[tilespmem:s0], [sflag:s29] =	stream.indirect.gather [hbm4b:s1+s14], $0x80, s26, s14, $0xb8;
	[tilespmem:$0x1C200] =	vst v63  }
0x2f: {  	s29 =	smov.u32 s23;
	s23 =	sadd.s32 $0x20, s23;
	_ =	swait.ge [sflag:s30], $0x4000  }
.Ltmp0:
0x30: {  	s24 =	sand.u32 $0x1, s3;
	[sflag:s30] =	ssyncset.done $0x0;
	(pc) =	sbr.rel @p0 .LBB2_2-.Ltmp0, $4  }
0x31: {  	s0 =	sor.u32 $0x200, s25;
	s25 =	sor.u32 $0x80, s28;
	[sflag:s30] =	ssyncadd.s32 $0xFFFFC000  }
0x32: {  	[spmem:s2] =	stream.indirect.scatter.add.f32 [tilespmem:s0], [sflag:$0x5], $0x80, s25, s14, $0xb8;
	[tilespmem:$0x1C200] =	vst v63  }
0x33: {  	s26 =	sxor.u32 $0x1, s24;
	_ =	swait.ge [sflag:s13], $0x4000  }
0x34: {  	s30 =	smov.u32 s16;
	s25 =	sshll.u32 s24, $0xE;
	[sflag:s13] =	ssyncset.done $0x0  }
0x35: {  	s0 =	sadd.s32 $0x3, s26;
	[sflag:s13] =	ssyncadd.s32 $0xFFFFC000  }
0x36: {  	[tilespmem:s28], [sflag:s31] =	stream.linear.gather [hbm4b:s29+s4], $0x100, $0x38;
	[tilespmem:$0x1C200] =	vst v63  }
0x37: {  	s3 =	sadd.s32 $0x1, s24;
	_ =	swait.ge [sflag:s0], $0x100  }
0x38: {  	s16 =	sshll.u32 s26, $0xE;
	s31 =	sadd.s32 $0x1, s26;
	[sflag:s0] =	ssyncset.done $0x0  }
0x39: {  	s16 =	sor.u32 $0x200, s16;
	s26 =	sshll.u32 s26, $0x8;
	[sflag:s0] =	ssyncadd.s32 $0xFFFFFF00  }
0x3a: {  	[tilespmem:s16], [sflag:s31] =	stream.indirect.gather [hbm4b:s1+s14], $0x80, s26, s14, $0xb8;
	[tilespmem:$0x1C200] =	vst v63  }
0x3b: {  	_ =	swait.ge [sflag:s3], $0x4000  }
0x3c: {  	s28 =	sshll.u32 s24, $0x8;
	[sflag:s3] =	ssyncset.done $0x0  }
0x3d: {  	s29 =	sor.u32 $0x200, s25;
	s30 =	sor.u32 $0x80, s28;
	[sflag:s3] =	ssyncadd.s32 $0xFFFFC000  }
0x3e: {  	[spmem:s2] =	stream.indirect.scatter.add.f32 [tilespmem:s29], [sflag:$0x5], $0x80, s30, s14, $0xb8;
	[tilespmem:$0x1C200] =	vst v63  }
0x3f: {  	_ =	swait.ge [sflag:s13], $0x4000  }
0x40: {  	[sflag:s13] =	ssyncset.done $0x0  }
0x41: {  	s31 =	sadd.s32 $0x3, s24;
	[sflag:s13] =	ssyncadd.s32 $0xFFFFC000  }
0x42: {  	[tilespmem:s28], [sflag:s31] =	stream.linear.gather [hbm4b:s23+s4], $0x100, $0x38;
	[tilespmem:$0x1C200] =	vst v63  }
0x43: {  	_ =	swait.ge [sflag:s17], $0x100  }
0x44: {  	[sflag:s17] =	ssyncset.done $0x0  }
0x45: {  	[sflag:s17] =	ssyncadd.s32 $0xFFFFFF00  }
0x46: {  	[tilespmem:s15], [sflag:$0x1] =	stream.indirect.gather [hbm4b:s1+s14], $0x80, s4, s14, $0xb8;
	[tilespmem:$0x1C200] =	vst v63  }
0x47: {  	_ =	swait.ge [sflag:s18], $0x4000  }
0x48: {  	[sflag:s18] =	ssyncset.done $0x0  }
0x49: {  	[sflag:s18] =	ssyncadd.s32 $0xFFFFC000  }
0x4a: {  	[spmem:s2] =	stream.indirect.scatter.add.f32 [tilespmem:s20], [sflag:$0x5], $0x80, s19, s14, $0xb8;
	[tilespmem:$0x1C200] =	vst v63  }
0x4b: {  	_ =	swait.ge [sflag:s13], $0x4000  }
0x4c: {  	[sflag:s13] =	ssyncset.done $0x0  }
0x4d: {  	[sflag:s13] =	ssyncadd.s32 $0xFFFFC000  }
0x4e: {  	_ =	swait.ge [sflag:s21], $0x4000  }
0x4f: {  	[sflag:s21] =	ssyncset.done $0x0  }
0x50: {  	[sflag:s21] =	ssyncadd.s32 $0xFFFFC000  }
0x51: {  	[spmem:s2] =	stream.indirect.scatter.add.f32 [tilespmem:s15], [sflag:$0x5], $0x80, s14, s14, $0xb8;
	[tilespmem:$0x1C200] =	vst v63  }
0x52: {  	_ =	swait.ge [sflag:s13], $0x4000  }
0x53: {  	s22 =	sadd.s32 $0x1, s22;
	[sflag:s13] =	ssyncset.done $0x0  }
0x54: {  	p0 =	sne.s32 s22, s10;
	[sflag:s13] =	ssyncadd.s32 $0xFFFFC000  }
.Ltmp1:
0x55: {  	[bflag:$0x0] =	sbarrier.arrive $0xFFFF;
	(pc) =	sbr.rel @p0 .LBB2_1-.Ltmp1, $4  }
0x56: {  	[hbm:s9], [sflag:s7] =	dma.local [spmem:s12], $0x2800  }
0x57: {  	_ =	swait.ge [sflag:s13], $0x2800  }
0x58: {  	[sflag:s13] =	ssyncset.done $0x0  }
0x59: {  	[sflag:s13] =	ssyncadd.s32 $0xFFFFD800  }
0x5a: {  	_ =	sfence.sel $0x180000  }
0x5b: {  	[bflag:$0x0] =	sbarrier.arrive $0xFFFF  }
0x5c: {  	_ =	strace $0x9000004A  }
0x5d: {  	s0 =	stileid.u32;
	[bflag:$0x2] =	sbarrier.arrive $0xFFFF  }
0x5e: {  	p0 =	sne.s32 s0, $0x0;
	s0 =	rddreg [dreg:$0x3]  }
0x5f: {  	s0 =	sadd.s32 @!p0 $0x100000, s0  }
0x60: {  	[sflag:s0] =	ssyncadd.tile.s32 @!p0 $0x1;
	_ =	shalt  }
.Lfunc_end2:
_tile_overlayer_lowered:
.L_overlay_start_2:
0x61: {  	(tag) =	ssettag $0x2  }
0x62: {  	s0 =	rddreg [dreg:$0x0];
	s2 =	stileid.u32  }
0x63: {  	s1 =	rddreg [dreg:$0x1];
	p0 =	sne.s32 s2, $0x0  }
0x64: {  	s3 =	rddreg [dreg:$0x2];
	[bflag:$0x3] =	sbarrier.arrive $0xFFFF;
	s2 =	simm.s32 @!p0 $0x1C05  }
0x65: {  	[timem:s3], [sflag:s2] =	dma.local @!p0 [hbm:s0], s1  }
0x66: {  	s0 =	simm.s32 @!p0 $0x5  }
0x67: {  	_ =	swait.ge @!p0 [sflag:s0], s1  }
0x68: {  	s1 =	ssub.s32 @!p0 $0x0, s1;
	[sflag:s0] =	ssyncset.done @!p0 $0x0  }
0x69: {  	[sflag:s0] =	ssyncadd.s32 @!p0 s1  }
0x6a: {  	[bflag:$0x3] =	sbarrier.arrive $0xFFFF  }
0x6b: {  	_ =	shalt  }

// kernel: kernel.14.cloned.1.call-start
scs
__scs_entry_jumppad:
0x0: {  	(pc) =	sbr.rel $0x88, $3  }
0x1: {  	(tag) =	ssettag $0x0;
	lr =	simm.s32 $0x1  }
0x2: {  	[smem:$0x3F8D] =	sst lr;
	_ =	strace $0xD0000000  }
0x3: {  	_ = 	snop  }
0x4: {  	_ = 	snop  }
0x5: {  	_ = 	snop  }
0x6: {  	_ = 	snop  }
0x7: {  	_ = 	snop  }
__scs_overlays_trampoline_lowered:
0x8: {  	[smem:$0x3F9C] =	sst s0  }
0x9: {  	[smem:$0x3F9D] =	sst s1  }
0xa: {  	[smem:$0x3F9E] =	sst s2  }
0xb: {  	[smem:$0x3F9F] =	sst s3  }
0xc: {  	[smem:$0x3FA0] =	sst s4  }
0xd: {  	[smem:$0x3FA1] =	sst s5  }
0xe: {  	[smem:$0x3FA2] =	sst s6  }
0xf: {  	[smem:$0x3FA3] =	sst s7  }
0x10: {  	[smem:$0x3FA4] =	sst s8  }
0x11: {  	[smem:$0x3FA5] =	sst s9;
	s0 =	simm.s32 @!p0 $0x0  }
0x12: {  	s1 =	sld [smem:$0x3F8B];
	s0 =	simm.s32 @p0 $0x1  }
0x13: {  	[smem:$0x3FA6] =	sst s0;
	s0 =	simm.s32 @!p1 $0x0  }
0x14: {  	s2 =	sld [smem:$0x3F8A];
	s0 =	simm.s32 @p1 $0x1  }
0x15: {  	[smem:$0x3FA7] =	sst s0;
	s0 =	simm.s32 @!p2 $0x0  }
0x16: {  	s3 =	sld [smem:$0x3FDB];
	s0 =	simm.s32 @p2 $0x1  }
0x17: {  	s4 =	simm.s32 $0x1BF5;
	[smem:$0x3FA9] =	sst s0  }
0x18: {  	s0 =	sld [smem:$0x3F8C];
	_ =	swait.ge [sflag:s4], $0x0  }
0x19: {  	s7 =	sld [smem:$0x3F8D]  }
0x1a: {  	s8 =	sadd.s32 $0xFFFFE003, lr  }
0x1b: {  	s9 =	sadd.s32 $0xFFFFFEF7, lr;
	s5 =	simm.s32 $0xFFFFFFFF;
	p2 =	slt.u32 s8, $0xFFFFF086  }
0x1c: {  	p1 =	slt.u32 s9, $0xF7A;
	s5 =	simm.s32 @!p2 $0x0  }
0x1d: {  	s5 =	simm.s32 @p1 $0x1;
	p0 =	seq.s32 s7, s2  }
0x1e: {  	s7 =	smul.u32 @!p0 $0xF7A, s2;
	p2 =	seq.s32 @!p0 s5, $0x0  }
0x1f: {  	s9 =	smul.u32 $0xF7A, s1;
	s8 =	simm.s32 @!p0 $0x1BF5;
	p2 =	por !p2, p0  }
0x20: {  	[sflag:s8] =	ssyncset.s32 @!p0 $0xFFFFF086;
	s6 =	sadd.s32 @!p0 s3, s7;
	s7 =	simm.s32 @!p0 $0x108  }
0x21: {  	s3 =	sadd.s32 s3, s9;
	s6 =	sadd.s32 @!p0 $0x88, s6;
	s7 =	simm.s32 @p2 $0x1082  }
0x22: {  	[simem:s7], [sflag:s8] =	dma.local @!p0 [hbm:s6], $0xF7A  }
0x23: {  	s9 =	sor.u32 $0xD0000000, s2;
	s6 =	simm.s32 $0x108;
	_ =	swait.ge @!p0 [sflag:s8], $0x0  }
0x24: {  	s3 =	sadd.s32 $0x88, s3;
	s6 =	simm.s32 @!p1 $0x1082;
	[sflag:s4] =	ssyncset.s32 $0xFFFFF086  }
0x25: {  	[simem:s6], [sflag:s4] =	dma.local [hbm:s3], $0xF7A  }
0x26: {  	[smem:$0x3F8D] =	sst s1;
	(tag) =	ssettag s2;
	_ =	strace s9  }
0x27: {  	s1 =	sld [smem:$0x3F9D]  }
0x28: {  	s2 =	sld [smem:$0x3F9E]  }
0x29: {  	s4 =	sld [smem:$0x3FA0]  }
0x2a: {  	p0 =	seq.s32 s5, $0x0;
	s5 =	sld [smem:$0x3FA1]  }
0x2b: {  	s6 =	sld [smem:$0x3FA2]  }
0x2c: {  	s7 =	sld [smem:$0x3FA3]  }
0x2d: {  	s3 =	simm.s32 $0x108;
	s8 =	sld [smem:$0x3FA4]  }
0x2e: {  	s3 =	simm.s32 @!p0 $0x1082;
	s9 =	sld [smem:$0x3FA5]  }
0x2f: {  	lr =	sadd.s32 s0, s3;
	s0 =	sld [smem:$0x3F9C]  }
0x30: {  	s3 =	sld [smem:$0x3F9F]  }
0x31: {  	[smem:$0x3FA8] =	sst s10  }
0x32: {  	s10 =	sld [smem:$0x3FA6];
	_ =	sdelay $0x3  }
0x33: {  	p0 =	seq.s32 s10, $0x1;
	s10 =	sld [smem:$0x3FA8];
	_ =	sdelay $0x3  }
0x34: {  	[smem:$0x3FA8] =	sst s10  }
0x35: {  	s10 =	sld [smem:$0x3FA7];
	_ =	sdelay $0x3  }
0x36: {  	p1 =	seq.s32 s10, $0x1;
	s10 =	sld [smem:$0x3FA8];
	_ =	sdelay $0x3  }
0x37: {  	[smem:$0x3FA8] =	sst s10  }
0x38: {  	s10 =	sld [smem:$0x3FA9]  }
0x39: {  	_ = 	snop;
	(pc) =	sbr.ind lr, $3  }
0x3a: {  	_ = 	snop  }
0x3b: {  	_ = 	snop  }
0x3c: {  	p2 =	seq.s32 s10, $0x1;
	s10 =	sld [smem:$0x3FA8]  }
0x3d: {  	_ =	shalt  }
0x3e: {  	_ =	shalt  }
0x3f: {  	_ =	shalt  }
0x40: {  	_ =	shalt  }
0x41: {  	_ =	shalt  }
0x42: {  	_ =	shalt  }
0x43: {  	_ =	shalt  }
0x44: {  	_ =	shalt  }
0x45: {  	_ =	shalt  }
0x46: {  	_ =	shalt  }
0x47: {  	_ =	shalt  }
0x48: {  	_ =	shalt  }
0x49: {  	_ =	shalt  }
0x4a: {  	_ =	shalt  }
0x4b: {  	_ =	shalt  }
0x4c: {  	_ =	shalt  }
0x4d: {  	_ =	shalt  }
0x4e: {  	_ =	shalt  }
0x4f: {  	_ =	shalt  }
0x50: {  	_ =	shalt  }
0x51: {  	_ =	shalt  }
0x52: {  	_ =	shalt  }
0x53: {  	_ =	shalt  }
0x54: {  	_ =	shalt  }
0x55: {  	_ =	shalt  }
0x56: {  	_ =	shalt  }
0x57: {  	_ =	shalt  }
0x58: {  	_ =	shalt  }
0x59: {  	_ =	shalt  }
0x5a: {  	_ =	shalt  }
0x5b: {  	_ =	shalt  }
0x5c: {  	_ =	shalt  }
0x5d: {  	_ =	shalt  }
0x5e: {  	_ =	shalt  }
0x5f: {  	_ =	shalt  }
0x60: {  	_ =	shalt  }
0x61: {  	_ =	shalt  }
0x62: {  	_ =	shalt  }
0x63: {  	_ =	shalt  }
0x64: {  	_ =	shalt  }
0x65: {  	_ =	shalt  }
0x66: {  	_ =	shalt  }
0x67: {  	_ =	shalt  }
0x68: {  	_ =	shalt  }
0x69: {  	_ =	shalt  }
0x6a: {  	_ =	shalt  }
0x6b: {  	_ =	shalt  }
0x6c: {  	_ =	shalt  }
0x6d: {  	_ =	shalt  }
0x6e: {  	_ =	shalt  }
0x6f: {  	_ =	shalt  }
0x70: {  	_ =	shalt  }
0x71: {  	_ =	shalt  }
0x72: {  	_ =	shalt  }
0x73: {  	_ =	shalt  }
0x74: {  	_ =	shalt  }
0x75: {  	_ =	shalt  }
0x76: {  	_ =	shalt  }
0x77: {  	_ =	shalt  }
0x78: {  	_ =	shalt  }
0x79: {  	_ =	shalt  }
0x7a: {  	_ =	shalt  }
0x7b: {  	_ =	shalt  }
0x7c: {  	_ =	shalt  }
0x7d: {  	_ =	shalt  }
0x7e: {  	_ =	shalt  }
0x7f: {  	_ =	shalt  }
0x80: {  	_ =	shalt  }
0x81: {  	_ =	shalt  }
0x82: {  	_ =	shalt  }
0x83: {  	_ =	shalt  }
0x84: {  	_ =	shalt  }
0x85: {  	_ =	shalt  }
0x86: {  	_ =	shalt  }
0x87: {  	_ =	shalt  }
.Lfunc_end0:
.L_simem_size_0:
called_computation.2_lowered:
.L_overlay_start_0:
0x88: {  	s2 =	sld [smem:$0x3FD9]  }
0x89: {  	s3 =	sld [smem:$0x3FFE];
	_ =	sdelay $0x1  }
0x8a: {  	s1 =	srdreg.scid  }
0x8b: {  	s0 =	sand.u32 $0x1, s1  }
0x8c: {  	s17 =	sshll.u32 s0, $0xA;
	s2 =	sadd.s32 s3, s2  }
0x8d: {  	s2 =	sadd.s32 s2, s17  }
0x8e: {  	[smem:$0x3FB4] =	sst s2  }
0x8f: {  	_ = 	snop  }
0x90: {  	s2 =	sld [smem:$0x3FD0];
	(tm) =	ssettm $0x1  }
0x91: {  	s18 =	sld [smem:$0x3FFB];
	_ =	sdelay $0x3  }
0x92: {  	_ =	strace s18  }
0x93: {  	s3 =	sld [smem:$0x3FFC];
	_ =	sdelay $0x3  }
0x94: {  	_ =	strace s3  }
0x95: {  	s3 =	sld [smem:$0x3FFD];
	_ =	sdelay $0x3  }
0x96: {  	_ =	strace s3  }
0x97: {  	_ =	strace $0x8FFFFFFF  }
0x98: {  	s19 =	sld [smem:$0x3FDB];
	_ =	sdelay $0x1  }
0x99: {  	s4 =	simm.s32 $_scs_section_size  }
0x9a: {  	s5 =	simm.s32 $_size__tile_overlayer_lowered;
	s6 =	simm.s32 $_tile_overlayer_lowered  }
0x9b: {  	s22 =	simm.s32 $0x1BFF;
	s21 =	sshll.u32 s6, $0x1;
	s3 =	sadd.s32 s4, s19  }
0x9c: {  	s7 =	simm.s32 $0x0;
	s20 =	sshll.u32 s5, $0x1;
	s5 =	sadd.s32 s21, s3  }
0x9d: {  	[timem:s7], [sflag:s22] =	dma.local [hbm:s5], s20  }
0x9e: {  	_ =	swait.ge [sflag:s22], s20  }
0x9f: {  	s4 =	ssub.s32 $0x0, s20;
	[sflag:s22] =	ssyncset.done $0x0  }
0xa0: {  	[sflag:s22] =	ssyncadd.s32 s4;
	_ =	sdelay $0x1  }
0xa1: {  	s23 =	simm.s32 $0x1B8B  }
0xa2: {  	_ =	swait.ge [sflag:s23], $0x1  }
0xa3: {  	[sflag:s23] =	ssyncset.done $0x0  }
0xa4: {  	s25 =	simm.s32 $0x1B8E;
	s24 =	sld [smem:$0x3FFE];
	[sflag:s23] =	ssyncadd.s32 $0xFFFFFFFF  }
0xa5: {  	s26 =	simm.s32 $execute0_lowered;
	[smem:$0x3FD2] =	sst s25  }
0xa6: {  	s5 =	sshll.u32 s26, $0x1;
	_ =	strace $0x8000004C;
	[dreg:$0x1] =	wrdreg $0xFFFFFFFF  }
0xa7: {  	s28 =	simm.s32 $_size_execute0_lowered;
	s3 =	sadd.s32 s3, s5;
	[dreg:$0x0] =	wrdreg $0x0  }
0xa8: {  	s5 =	sshll.u32 s28, $0x1;
	[dreg:$0x2] =	wrdreg s3  }
0xa9: {  	[dreg:$0x3] =	wrdreg s5  }
0xaa: {  	[dreg:$0x4] =	wrdreg $0xC0  }
0xab: {  	_ =	task [dreg:s7], $0x5FFFF  }
0xac: {  	[dreg:$0x1] =	wrdreg $0xFFFFFFFF  }
0xad: {  	[dreg:$0x0] =	wrdreg $0x60  }
0xae: {  	[dreg:$0x2] =	wrdreg s2  }
0xaf: {  	[dreg:$0x3] =	wrdreg s24  }
0xb0: {  	[dreg:$0x4] =	wrdreg $0x82000  }
0xb1: {  	[dreg:$0x5] =	wrdreg $0x9  }
0xb2: {  	_ =	task.clear_ibuf [dreg:s7], $0x6FFFF;
	_ =	strace $0x9000004C  }
0xb3: {  	s29 =	simm.s32 $0x9;
	_ =	strace $0x8000004E  }
0xb4: {  	_ =	swait.ge [sflag:s29], $0x1  }
0xb5: {  	[sflag:s29] =	ssyncadd.s32 $0xFFFFFFFF  }
0xb6: {  	_ =	strace $0x9000004E  }
0xb7: {  	_ =	sfence  }
0xb8: {  	s30 =	sld [smem:$0x0];
	_ =	sdelay $0x2  }
0xb9: {  	s31 =	sshll.u32 s1, $0xD;
	s1 =	sshrl.u32 s1, $0x2  }
0xba: {  	s3 =	sand.u32 $0x4000, s31;
	s1 =	sadd.s32 s1, s30  }
0xbb: {  	s0 =	sor.u32 s3, s0;
	s1 =	sshll.u32 s1, $0x11  }
0xbc: {  	s0 =	sor.u32 s1, s0  }
0xbd: {  	s0 =	sadd.s32 $0x8F2B, s0  }
0xbe: {  	[sflag:s0] =	ssyncadd.remote.s32 $0x1  }
0xbf: {  	_ =	sfence.sel $0xFFFF  }
0xc0: {  	[dreg:$0x0] =	wrdreg $0xFFFFFFFF;
	(pc) =	sbr.abs _section_cstart, $3  }
0xc1: {  	[dreg:$0x1] =	wrdreg $0xFFFFFFFF  }
0xc2: {  	_ =	task.clear_ibuf [dreg:s7], $0x2FFFF;
	_ =	strace $0x9FFFFFFF  }
0xc3: {  	(tm) =	ssettm $0x7FFFFFFF  }
tec
execute0_lowered:
.L_overlay_start_1:
0x0: {  	(tag) =	ssettag $0x1  }
0x1: {  	s1 =	rddreg [dreg:$0x0]  }
0x2: {  	s6 =	rddreg [dreg:$0x1]  }
0x3: {  	s2 =	rddreg [dreg:$0x2]  }
0x4: {  	s3 =	srdreg.scid;
	s4 =	simm.s32 $0x0;
	s0 =	stileid.u32  }
0x5: {  	s15 =	simm.s32 $0x200;
	s17 =	simm.s32 $0x3;
	s18 =	simm.s32 $0x2  }
0x6: {  	s19 =	simm.s32 $0x180;
	s20 =	simm.s32 $0x4200;
	s9 =	smul.u32 $0x14000, s0  }
0x7: {  	s21 =	simm.s32 $0x1;
	s22 =	simm.s32 $0x0;
	s24 =	smul.u32 $0x4F00, s0  }
0x8: {  	s7 =	sand.u32 $0x1, s3;
	[smem:$0x7FF] =	sst s4;
	s12 =	smul.u32 $0x50000, s0  }
0x9: {  	s11 =	sadd.s32 $0x5000, s6;
	s5 =	sadd.s32 $0x3FE00, s6;
	s8 =	smul.u32 $0x140000, s7  }
0xa: {  	s30 =	sshll.u32 s0, $0x6;
	s10 =	smul.u32 $0x4F000, s7;
	s7 =	ssub.s32 $0x2, s7  }
0xb: {  	_ =	strace $0x8000004D;
	s25 =	sshrl.u32 s7, $0x1;
	s28 =	sshrl.u32 s12, $0x2  }
0xc: {  	s8 =	sadd.s32 s9, s8;
	s9 =	sadd.s32 s24, s10;
	s26 =	ssub.s32 s7, s25  }
0xd: {  	s12 =	sadd.s32 s28, s2;
	s7 =	sor.u32 $0x1C05, s30;
	s8 =	sshrl.u32 s8, $0x3  }
0xe: {  	s29 =	sshrl.u32 s9, $0x3;
	s14 =	sadd.s32 $0x200, s9;
	s10 =	smax.u32 s26, $0x1  }
0xf: {  	s12 =	sshrl.u32 s12, $0x3;
	s13 =	sadd.s32 s8, s6;
	s6 =	sadd.s32 s11, s29  }
0x10: {  	s31 =	sshrl.u32 s14, $0x3;
	s14 =	simm.s32 $0x80;
	s8 =	sadd.s32 $0x20, s6  }
0x11: {  	s9 =	sadd.s32 $0x42600, s13;
	s11 =	sadd.s32 s31, s11;
	s13 =	simm.s32 $0x5  }
.LBB2_1:
0x12: {  	[spmem:s12], [sflag:s7] =	dma.local [hbm:s5], $0x2800  }
0x13: {  	_ =	swait.ge [sflag:s13], $0x2800  }
0x14: {  	[sflag:s13] =	ssyncset.done $0x0  }
0x15: {  	[sflag:s13] =	ssyncadd.s32 $0xFFFFD800  }
0x16: {  	[bflag:$0x0] =	sbarrier.arrive $0xFFFF  }
0x17: {  	[tilespmem:s4], [sflag:$0x5] =	stream.linear.gather [hbm4b:s6+s4], $0x100, $0x38;
	[tilespmem:$0x1C200] =	vst v63  }
0x18: {  	_ =	swait.ge [sflag:s13], $0x100  }
0x19: {  	s25 =	sand.u32 $0x1, s4;
	[sflag:s13] =	ssyncset.done $0x0  }
0x1a: {  	s23 =	sxor.u32 $0x1, s25;
	[sflag:s13] =	ssyncadd.s32 $0xFFFFFF00  }
0x1b: {  	[tilespmem:s15], [sflag:$0x1] =	stream.indirect.gather [hbm4b:s1+s14], $0x80, s4, s14, $0xb8;
	[tilespmem:$0x1C200] =	vst v63  }
0x1c: {  	s0 =	simm.s32 $0x100;
	s26 =	simm.s32 $0x1;
	s24 =	sadd.s32 $0x3, s23  }
0x1d: {  	[tilespmem:s0], [sflag:$0x4] =	stream.linear.gather [hbm4b:s8+s4], $0x100, $0x38;
	[tilespmem:$0x1C200] =	vst v63  }
0x1e: {  	s29 =	sadd.s32 $0x1, s25;
	s16 =	sshll.u32 s25, $0xE;
	_ =	swait.ge [sflag:s24], $0x100  }
0x1f: {  	s28 =	sshll.u32 s23, $0xE;
	s30 =	sadd.s32 $0x1, s23;
	[sflag:s24] =	ssyncset.done $0x0  }
0x20: {  	s23 =	sshll.u32 s23, $0x8;
	s3 =	sor.u32 $0x200, s28;
	[sflag:s24] =	ssyncadd.s32 $0xFFFFFF00  }
0x21: {  	[tilespmem:s3], [sflag:s30] =	stream.indirect.gather [hbm4b:s1+s14], $0x80, s23, s14, $0xb8;
	[tilespmem:$0x1C200] =	vst v63  }
0x22: {  	s31 =	sadd.s32 $0x3, s25;
	s28 =	sshll.u32 s25, $0x8;
	_ =	swait.ge [sflag:s29], $0x4000  }
0x23: {  	s24 =	sor.u32 $0x200, s16;
	s30 =	simm.s32 $0x2;
	[sflag:s29] =	ssyncset.done $0x0  }
0x24: {  	s23 =	sadd.s32 $0x20, s11;
	[sflag:s29] =	ssyncadd.s32 $0xFFFFC000;
	s29 =	sor.u32 $0x80, s28  }
0x25: {  	[spmem:s2] =	stream.indirect.scatter.add.f32 [tilespmem:s24], [sflag:$0x5], $0x80, s29, s14, $0xb8;
	[tilespmem:$0x1C200] =	vst v63  }
0x26: {  	s24 =	sand.u32 $0x1, s26;
	s29 =	smov.u32 s11;
	_ =	swait.ge [sflag:s13], $0x4000  }
0x27: {  	s26 =	sxor.u32 $0x1, s24;
	s25 =	sshll.u32 s24, $0xE;
	[sflag:s13] =	ssyncset.done $0x0  }
.LBB2_2:
0x28: {  	s0 =	sadd.s32 $0x3, s26;
	[sflag:s13] =	ssyncadd.s32 $0xFFFFC000;
	s3 =	smov.u32 s30  }
0x29: {  	s16 =	sadd.s32 $0x1, s30;
	p0 =	sne.s32 s30, $0x4C;
	s30 =	sadd.s32 $0x1, s24  }
0x2a: {  	[tilespmem:s28], [sflag:s31] =	stream.linear.gather [hbm4b:s29+s4], $0x100, $0x38;
	[tilespmem:$0x1C200] =	vst v63  }
0x2b: {  	s28 =	sshll.u32 s26, $0xE;
	s29 =	sadd.s32 $0x1, s26;
	_ =	swait.ge [sflag:s0], $0x100  }
0x2c: {  	s26 =	sshll.u32 s26, $0x8;
	s31 =	sadd.s32 $0x3, s24;
	[sflag:s0] =	ssyncset.done $0x0  }
0x2d: {  	[sflag:s0] =	ssyncadd.s32 $0xFFFFFF00;
	s0 =	sor.u32 $0x200, s28;
	s28 =	sshll.u32 s24, $0x8  }
0x2e: {  	[tilespmem:s0], [sflag:s29] =	stream.indirect.gather [hbm4b:s1+s14], $0x80, s26, s14, $0xb8;
	[tilespmem:$0x1C200] =	vst v63  }
0x2f: {  	s29 =	smov.u32 s23;
	s23 =	sadd.s32 $0x20, s23;
	_ =	swait.ge [sflag:s30], $0x4000  }
.Ltmp0:
0x30: {  	s24 =	sand.u32 $0x1, s3;
	[sflag:s30] =	ssyncset.done $0x0;
	(pc) =	sbr.rel @p0 .LBB2_2-.Ltmp0, $4  }
0x31: {  	s0 =	sor.u32 $0x200, s25;
	s25 =	sor.u32 $0x80, s28;
	[sflag:s30] =	ssyncadd.s32 $0xFFFFC000  }
0x32: {  	[spmem:s2] =	stream.indirect.scatter.add.f32 [tilespmem:s0], [sflag:$0x5], $0x80, s25, s14, $0xb8;
	[tilespmem:$0x1C200] =	vst v63  }
0x33: {  	s26 =	sxor.u32 $0x1, s24;
	_ =	swait.ge [sflag:s13], $0x4000  }
0x34: {  	s30 =	smov.u32 s16;
	s25 =	sshll.u32 s24, $0xE;
	[sflag:s13] =	ssyncset.done $0x0  }
0x35: {  	s0 =	sadd.s32 $0x3, s26;
	[sflag:s13] =	ssyncadd.s32 $0xFFFFC000  }
0x36: {  	[tilespmem:s28], [sflag:s31] =	stream.linear.gather [hbm4b:s29+s4], $0x100, $0x38;
	[tilespmem:$0x1C200] =	vst v63  }
0x37: {  	s3 =	sadd.s32 $0x1, s24;
	_ =	swait.ge [sflag:s0], $0x100  }
0x38: {  	s16 =	sshll.u32 s26, $0xE;
	s31 =	sadd.s32 $0x1, s26;
	[sflag:s0] =	ssyncset.done $0x0  }
0x39: {  	s16 =	sor.u32 $0x200, s16;
	s26 =	sshll.u32 s26, $0x8;
	[sflag:s0] =	ssyncadd.s32 $0xFFFFFF00  }
0x3a: {  	[tilespmem:s16], [sflag:s31] =	stream.indirect.gather [hbm4b:s1+s14], $0x80, s26, s14, $0xb8;
	[tilespmem:$0x1C200] =	vst v63  }
0x3b: {  	_ =	swait.ge [sflag:s3], $0x4000  }
0x3c: {  	s28 =	sshll.u32 s24, $0x8;
	[sflag:s3] =	ssyncset.done $0x0  }
0x3d: {  	s29 =	sor.u32 $0x200, s25;
	s30 =	sor.u32 $0x80, s28;
	[sflag:s3] =	ssyncadd.s32 $0xFFFFC000  }
0x3e: {  	[spmem:s2] =	stream.indirect.scatter.add.f32 [tilespmem:s29], [sflag:$0x5], $0x80, s30, s14, $0xb8;
	[tilespmem:$0x1C200] =	vst v63  }
0x3f: {  	_ =	swait.ge [sflag:s13], $0x4000  }
0x40: {  	[sflag:s13] =	ssyncset.done $0x0  }
0x41: {  	s31 =	sadd.s32 $0x3, s24;
	[sflag:s13] =	ssyncadd.s32 $0xFFFFC000  }
0x42: {  	[tilespmem:s28], [sflag:s31] =	stream.linear.gather [hbm4b:s23+s4], $0x100, $0x38;
	[tilespmem:$0x1C200] =	vst v63  }
0x43: {  	_ =	swait.ge [sflag:s17], $0x100  }
0x44: {  	[sflag:s17] =	ssyncset.done $0x0  }
0x45: {  	[sflag:s17] =	ssyncadd.s32 $0xFFFFFF00  }
0x46: {  	[tilespmem:s15], [sflag:$0x1] =	stream.indirect.gather [hbm4b:s1+s14], $0x80, s4, s14, $0xb8;
	[tilespmem:$0x1C200] =	vst v63  }
0x47: {  	_ =	swait.ge [sflag:s18], $0x4000  }
0x48: {  	[sflag:s18] =	ssyncset.done $0x0  }
0x49: {  	[sflag:s18] =	ssyncadd.s32 $0xFFFFC000  }
0x4a: {  	[spmem:s2] =	stream.indirect.scatter.add.f32 [tilespmem:s20], [sflag:$0x5], $0x80, s19, s14, $0xb8;
	[tilespmem:$0x1C200] =	vst v63  }
0x4b: {  	_ =	swait.ge [sflag:s13], $0x4000  }
0x4c: {  	[sflag:s13] =	ssyncset.done $0x0  }
0x4d: {  	[sflag:s13] =	ssyncadd.s32 $0xFFFFC000  }
0x4e: {  	_ =	swait.ge [sflag:s21], $0x4000  }
0x4f: {  	[sflag:s21] =	ssyncset.done $0x0  }
0x50: {  	[sflag:s21] =	ssyncadd.s32 $0xFFFFC000  }
0x51: {  	[spmem:s2] =	stream.indirect.scatter.add.f32 [tilespmem:s15], [sflag:$0x5], $0x80, s14, s14, $0xb8;
	[tilespmem:$0x1C200] =	vst v63  }
0x52: {  	_ =	swait.ge [sflag:s13], $0x4000  }
0x53: {  	s22 =	sadd.s32 $0x1, s22;
	[sflag:s13] =	ssyncset.done $0x0  }
0x54: {  	p0 =	sne.s32 s22, s10;
	[sflag:s13] =	ssyncadd.s32 $0xFFFFC000  }
.Ltmp1:
0x55: {  	[bflag:$0x0] =	sbarrier.arrive $0xFFFF;
	(pc) =	sbr.rel @p0 .LBB2_1-.Ltmp1, $4  }
0x56: {  	[hbm:s9], [sflag:s7] =	dma.local [spmem:s12], $0x2800  }
0x57: {  	_ =	swait.ge [sflag:s13], $0x2800  }
0x58: {  	[sflag:s13] =	ssyncset.done $0x0  }
0x59: {  	[sflag:s13] =	ssyncadd.s32 $0xFFFFD800  }
0x5a: {  	_ =	sfence.sel $0x180000  }
0x5b: {  	[bflag:$0x0] =	sbarrier.arrive $0xFFFF  }
0x5c: {  	_ =	strace $0x9000004D  }
0x5d: {  	s0 =	stileid.u32;
	[bflag:$0x2] =	sbarrier.arrive $0xFFFF  }
0x5e: {  	p0 =	sne.s32 s0, $0x0;
	s0 =	rddreg [dreg:$0x3]  }
0x5f: {  	s0 =	sadd.s32 @!p0 $0x100000, s0  }
0x60: {  	[sflag:s0] =	ssyncadd.tile.s32 @!p0 $0x1;
	_ =	shalt  }
.Lfunc_end2:
_tile_overlayer_lowered:
.L_overlay_start_2:
0x61: {  	(tag) =	ssettag $0x2  }
0x62: {  	s0 =	rddreg [dreg:$0x0];
	s2 =	stileid.u32  }
0x63: {  	s1 =	rddreg [dreg:$0x1];
	p0 =	sne.s32 s2, $0x0  }
0x64: {  	s3 =	rddreg [dreg:$0x2];
	[bflag:$0x3] =	sbarrier.arrive $0xFFFF;
	s2 =	simm.s32 @!p0 $0x1C05  }
0x65: {  	[timem:s3], [sflag:s2] =	dma.local @!p0 [hbm:s0], s1  }
0x66: {  	s0 =	simm.s32 @!p0 $0x5  }
0x67: {  	_ =	swait.ge @!p0 [sflag:s0], s1  }
0x68: {  	s1 =	ssub.s32 @!p0 $0x0, s1;
	[sflag:s0] =	ssyncset.done @!p0 $0x0  }
0x69: {  	[sflag:s0] =	ssyncadd.s32 @!p0 s1  }
0x6a: {  	[bflag:$0x3] =	sbarrier.arrive $0xFFFF  }
0x6b: {  	_ =	shalt  }

// kernel: kernel.8.cloned.1.call-start
scs
__scs_entry_jumppad:
0x0: {  	(pc) =	sbr.rel $0x88, $3  }
0x1: {  	(tag) =	ssettag $0x0;
	lr =	simm.s32 $0x1  }
0x2: {  	[smem:$0x3F8D] =	sst lr;
	_ =	strace $0xD0000000  }
0x3: {  	_ = 	snop  }
0x4: {  	_ = 	snop  }
0x5: {  	_ = 	snop  }
0x6: {  	_ = 	snop  }
0x7: {  	_ = 	snop  }
__scs_overlays_trampoline_lowered:
0x8: {  	[smem:$0x3F9C] =	sst s0  }
0x9: {  	[smem:$0x3F9D] =	sst s1  }
0xa: {  	[smem:$0x3F9E] =	sst s2  }
0xb: {  	[smem:$0x3F9F] =	sst s3  }
0xc: {  	[smem:$0x3FA0] =	sst s4  }
0xd: {  	[smem:$0x3FA1] =	sst s5  }
0xe: {  	[smem:$0x3FA2] =	sst s6  }
0xf: {  	[smem:$0x3FA3] =	sst s7  }
0x10: {  	[smem:$0x3FA4] =	sst s8  }
0x11: {  	[smem:$0x3FA5] =	sst s9;
	s0 =	simm.s32 @!p0 $0x0  }
0x12: {  	s1 =	sld [smem:$0x3F8B];
	s0 =	simm.s32 @p0 $0x1  }
0x13: {  	[smem:$0x3FA6] =	sst s0;
	s0 =	simm.s32 @!p1 $0x0  }
0x14: {  	s2 =	sld [smem:$0x3F8A];
	s0 =	simm.s32 @p1 $0x1  }
0x15: {  	[smem:$0x3FA7] =	sst s0;
	s0 =	simm.s32 @!p2 $0x0  }
0x16: {  	s3 =	sld [smem:$0x3FDB];
	s0 =	simm.s32 @p2 $0x1  }
0x17: {  	s4 =	simm.s32 $0x1BF5;
	[smem:$0x3FA9] =	sst s0  }
0x18: {  	s0 =	sld [smem:$0x3F8C];
	_ =	swait.ge [sflag:s4], $0x0  }
0x19: {  	s7 =	sld [smem:$0x3F8D]  }
0x1a: {  	s8 =	sadd.s32 $0xFFFFE003, lr  }
0x1b: {  	s9 =	sadd.s32 $0xFFFFFEF7, lr;
	s5 =	simm.s32 $0xFFFFFFFF;
	p2 =	slt.u32 s8, $0xFFFFF086  }
0x1c: {  	p1 =	slt.u32 s9, $0xF7A;
	s5 =	simm.s32 @!p2 $0x0  }
0x1d: {  	s5 =	simm.s32 @p1 $0x1;
	p0 =	seq.s32 s7, s2  }
0x1e: {  	s7 =	smul.u32 @!p0 $0xF7A, s2;
	p2 =	seq.s32 @!p0 s5, $0x0  }
0x1f: {  	s9 =	smul.u32 $0xF7A, s1;
	s8 =	simm.s32 @!p0 $0x1BF5;
	p2 =	por !p2, p0  }
0x20: {  	[sflag:s8] =	ssyncset.s32 @!p0 $0xFFFFF086;
	s6 =	sadd.s32 @!p0 s3, s7;
	s7 =	simm.s32 @!p0 $0x108  }
0x21: {  	s3 =	sadd.s32 s3, s9;
	s6 =	sadd.s32 @!p0 $0x88, s6;
	s7 =	simm.s32 @p2 $0x1082  }
0x22: {  	[simem:s7], [sflag:s8] =	dma.local @!p0 [hbm:s6], $0xF7A  }
0x23: {  	s9 =	sor.u32 $0xD0000000, s2;
	s6 =	simm.s32 $0x108;
	_ =	swait.ge @!p0 [sflag:s8], $0x0  }
0x24: {  	s3 =	sadd.s32 $0x88, s3;
	s6 =	simm.s32 @!p1 $0x1082;
	[sflag:s4] =	ssyncset.s32 $0xFFFFF086  }
0x25: {  	[simem:s6], [sflag:s4] =	dma.local [hbm:s3], $0xF7A  }
0x26: {  	[smem:$0x3F8D] =	sst s1;
	(tag) =	ssettag s2;
	_ =	strace s9  }
0x27: {  	s1 =	sld [smem:$0x3F9D]  }
0x28: {  	s2 =	sld [smem:$0x3F9E]  }
0x29: {  	s4 =	sld [smem:$0x3FA0]  }
0x2a: {  	p0 =	seq.s32 s5, $0x0;
	s5 =	sld [smem:$0x3FA1]  }
0x2b: {  	s6 =	sld [smem:$0x3FA2]  }
0x2c: {  	s7 =	sld [smem:$0x3FA3]  }
0x2d: {  	s3 =	simm.s32 $0x108;
	s8 =	sld [smem:$0x3FA4]  }
0x2e: {  	s3 =	simm.s32 @!p0 $0x1082;
	s9 =	sld [smem:$0x3FA5]  }
0x2f: {  	lr =	sadd.s32 s0, s3;
	s0 =	sld [smem:$0x3F9C]  }
0x30: {  	s3 =	sld [smem:$0x3F9F]  }
0x31: {  	[smem:$0x3FA8] =	sst s10  }
0x32: {  	s10 =	sld [smem:$0x3FA6];
	_ =	sdelay $0x3  }
0x33: {  	p0 =	seq.s32 s10, $0x1;
	s10 =	sld [smem:$0x3FA8];
	_ =	sdelay $0x3  }
0x34: {  	[smem:$0x3FA8] =	sst s10  }
0x35: {  	s10 =	sld [smem:$0x3FA7];
	_ =	sdelay $0x3  }
0x36: {  	p1 =	seq.s32 s10, $0x1;
	s10 =	sld [smem:$0x3FA8];
	_ =	sdelay $0x3  }
0x37: {  	[smem:$0x3FA8] =	sst s10  }
0x38: {  	s10 =	sld [smem:$0x3FA9]  }
0x39: {  	_ = 	snop;
	(pc) =	sbr.ind lr, $3  }
0x3a: {  	_ = 	snop  }
0x3b: {  	_ = 	snop  }
0x3c: {  	p2 =	seq.s32 s10, $0x1;
	s10 =	sld [smem:$0x3FA8]  }
0x3d: {  	_ =	shalt  }
0x3e: {  	_ =	shalt  }
0x3f: {  	_ =	shalt  }
0x40: {  	_ =	shalt  }
0x41: {  	_ =	shalt  }
0x42: {  	_ =	shalt  }
0x43: {  	_ =	shalt  }
0x44: {  	_ =	shalt  }
0x45: {  	_ =	shalt  }
0x46: {  	_ =	shalt  }
0x47: {  	_ =	shalt  }
0x48: {  	_ =	shalt  }
0x49: {  	_ =	shalt  }
0x4a: {  	_ =	shalt  }
0x4b: {  	_ =	shalt  }
0x4c: {  	_ =	shalt  }
0x4d: {  	_ =	shalt  }
0x4e: {  	_ =	shalt  }
0x4f: {  	_ =	shalt  }
0x50: {  	_ =	shalt  }
0x51: {  	_ =	shalt  }
0x52: {  	_ =	shalt  }
0x53: {  	_ =	shalt  }
0x54: {  	_ =	shalt  }
0x55: {  	_ =	shalt  }
0x56: {  	_ =	shalt  }
0x57: {  	_ =	shalt  }
0x58: {  	_ =	shalt  }
0x59: {  	_ =	shalt  }
0x5a: {  	_ =	shalt  }
0x5b: {  	_ =	shalt  }
0x5c: {  	_ =	shalt  }
0x5d: {  	_ =	shalt  }
0x5e: {  	_ =	shalt  }
0x5f: {  	_ =	shalt  }
0x60: {  	_ =	shalt  }
0x61: {  	_ =	shalt  }
0x62: {  	_ =	shalt  }
0x63: {  	_ =	shalt  }
0x64: {  	_ =	shalt  }
0x65: {  	_ =	shalt  }
0x66: {  	_ =	shalt  }
0x67: {  	_ =	shalt  }
0x68: {  	_ =	shalt  }
0x69: {  	_ =	shalt  }
0x6a: {  	_ =	shalt  }
0x6b: {  	_ =	shalt  }
0x6c: {  	_ =	shalt  }
0x6d: {  	_ =	shalt  }
0x6e: {  	_ =	shalt  }
0x6f: {  	_ =	shalt  }
0x70: {  	_ =	shalt  }
0x71: {  	_ =	shalt  }
0x72: {  	_ =	shalt  }
0x73: {  	_ =	shalt  }
0x74: {  	_ =	shalt  }
0x75: {  	_ =	shalt  }
0x76: {  	_ =	shalt  }
0x77: {  	_ =	shalt  }
0x78: {  	_ =	shalt  }
0x79: {  	_ =	shalt  }
0x7a: {  	_ =	shalt  }
0x7b: {  	_ =	shalt  }
0x7c: {  	_ =	shalt  }
0x7d: {  	_ =	shalt  }
0x7e: {  	_ =	shalt  }
0x7f: {  	_ =	shalt  }
0x80: {  	_ =	shalt  }
0x81: {  	_ =	shalt  }
0x82: {  	_ =	shalt  }
0x83: {  	_ =	shalt  }
0x84: {  	_ =	shalt  }
0x85: {  	_ =	shalt  }
0x86: {  	_ =	shalt  }
0x87: {  	_ =	shalt  }
.Lfunc_end0:
.L_simem_size_0:
called_computation_lowered:
.L_overlay_start_0:
0x88: {  	s2 =	sld [smem:$0x3FD9]  }
0x89: {  	s3 =	sld [smem:$0x3FFE];
	_ =	sdelay $0x1  }
0x8a: {  	s1 =	srdreg.scid  }
0x8b: {  	s0 =	sand.u32 $0x1, s1  }
0x8c: {  	s17 =	sshll.u32 s0, $0xA;
	s2 =	sadd.s32 s3, s2  }
0x8d: {  	s2 =	sadd.s32 s2, s17  }
0x8e: {  	[smem:$0x3FB4] =	sst s2  }
0x8f: {  	_ = 	snop  }
0x90: {  	s2 =	sld [smem:$0x3FD0];
	(tm) =	ssettm $0x1  }
0x91: {  	s18 =	sld [smem:$0x3FFB];
	_ =	sdelay $0x3  }
0x92: {  	_ =	strace s18  }
0x93: {  	s3 =	sld [smem:$0x3FFC];
	_ =	sdelay $0x3  }
0x94: {  	_ =	strace s3  }
0x95: {  	s3 =	sld [smem:$0x3FFD];
	_ =	sdelay $0x3  }
0x96: {  	_ =	strace s3  }
0x97: {  	_ =	strace $0x8FFFFFFF  }
0x98: {  	s19 =	sld [smem:$0x3FDB];
	_ =	sdelay $0x1  }
0x99: {  	s4 =	simm.s32 $_scs_section_size  }
0x9a: {  	s5 =	simm.s32 $_size__tile_overlayer_lowered;
	s6 =	simm.s32 $_tile_overlayer_lowered  }
0x9b: {  	s22 =	simm.s32 $0x1BFF;
	s21 =	sshll.u32 s6, $0x1;
	s3 =	sadd.s32 s4, s19  }
0x9c: {  	s7 =	simm.s32 $0x0;
	s20 =	sshll.u32 s5, $0x1;
	s5 =	sadd.s32 s21, s3  }
0x9d: {  	[timem:s7], [sflag:s22] =	dma.local [hbm:s5], s20  }
0x9e: {  	_ =	swait.ge [sflag:s22], s20  }
0x9f: {  	s4 =	ssub.s32 $0x0, s20;
	[sflag:s22] =	ssyncset.done $0x0  }
0xa0: {  	[sflag:s22] =	ssyncadd.s32 s4;
	_ =	sdelay $0x1  }
0xa1: {  	s23 =	simm.s32 $0x1B8B  }
0xa2: {  	_ =	swait.ge [sflag:s23], $0x1  }
0xa3: {  	[sflag:s23] =	ssyncset.done $0x0  }
0xa4: {  	s25 =	simm.s32 $0x1B8E;
	s24 =	sld [smem:$0x3FFE];
	[sflag:s23] =	ssyncadd.s32 $0xFFFFFFFF  }
0xa5: {  	s26 =	simm.s32 $execute0_lowered;
	[smem:$0x3FD2] =	sst s25  }
0xa6: {  	s5 =	sshll.u32 s26, $0x1;
	_ =	strace $0x80000046;
	[dreg:$0x1] =	wrdreg $0xFFFFFFFF  }
0xa7: {  	s28 =	simm.s32 $_size_execute0_lowered;
	s3 =	sadd.s32 s3, s5;
	[dreg:$0x0] =	wrdreg $0x0  }
0xa8: {  	s5 =	sshll.u32 s28, $0x1;
	[dreg:$0x2] =	wrdreg s3  }
0xa9: {  	[dreg:$0x3] =	wrdreg s5  }
0xaa: {  	[dreg:$0x4] =	wrdreg $0xC0  }
0xab: {  	_ =	task [dreg:s7], $0x5FFFF  }
0xac: {  	[dreg:$0x1] =	wrdreg $0xFFFFFFFF  }
0xad: {  	[dreg:$0x0] =	wrdreg $0x60  }
0xae: {  	[dreg:$0x2] =	wrdreg s2  }
0xaf: {  	[dreg:$0x3] =	wrdreg s24  }
0xb0: {  	[dreg:$0x4] =	wrdreg $0x28800  }
0xb1: {  	[dreg:$0x5] =	wrdreg $0x9  }
0xb2: {  	_ =	task.clear_ibuf [dreg:s7], $0x6FFFF;
	_ =	strace $0x90000046  }
0xb3: {  	s29 =	simm.s32 $0x9;
	_ =	strace $0x80000048  }
0xb4: {  	_ =	swait.ge [sflag:s29], $0x1  }
0xb5: {  	[sflag:s29] =	ssyncadd.s32 $0xFFFFFFFF  }
0xb6: {  	_ =	strace $0x90000048  }
0xb7: {  	_ =	sfence  }
0xb8: {  	s30 =	sld [smem:$0x0];
	_ =	sdelay $0x2  }
0xb9: {  	s31 =	sshll.u32 s1, $0xD;
	s1 =	sshrl.u32 s1, $0x2  }
0xba: {  	s3 =	sand.u32 $0x4000, s31;
	s1 =	sadd.s32 s1, s30  }
0xbb: {  	s0 =	sor.u32 s3, s0;
	s1 =	sshll.u32 s1, $0x11  }
0xbc: {  	s0 =	sor.u32 s1, s0  }
0xbd: {  	s0 =	sadd.s32 $0x8F2B, s0  }
0xbe: {  	[sflag:s0] =	ssyncadd.remote.s32 $0x1  }
0xbf: {  	_ =	sfence.sel $0xFFFF  }
0xc0: {  	[dreg:$0x0] =	wrdreg $0xFFFFFFFF;
	(pc) =	sbr.abs _section_cstart, $3  }
0xc1: {  	[dreg:$0x1] =	wrdreg $0xFFFFFFFF  }
0xc2: {  	_ =	task.clear_ibuf [dreg:s7], $0x2FFFF;
	_ =	strace $0x9FFFFFFF  }
0xc3: {  	(tm) =	ssettm $0x7FFFFFFF  }
tec
execute0_lowered:
.L_overlay_start_1:
0x0: {  	(tag) =	ssettag $0x1  }
0x1: {  	s7 =	rddreg [dreg:$0x0]  }
0x2: {  	s6 =	rddreg [dreg:$0x1]  }
0x3: {  	s1 =	rddreg [dreg:$0x2]  }
0x4: {  	s0 =	rddreg [dreg:$0x3];
	s3 =	simm.s32 $0x0;
	s5 =	srdreg.scid  }
0x5: {  	s2 =	stileid.u32;
	s14 =	simm.s32 $0x20;
	s15 =	simm.s32 $0x10  }
0x6: {  	s16 =	simm.s32 $0x0;
	[smem:$0x7FF] =	sst s3;
	s9 =	smul.u32 $0x500, s2  }
0x7: {  	s4 =	sadd.s32 $0x4200, s6;
	s8 =	sand.u32 $0x1, s5;
	s28 =	smul.u32 $0x2800, s2  }
0x8: {  	s5 =	sadd.s32 $0x4400, s6;
	s13 =	smul.u32 $0xA00, s2;
	s31 =	sshll.u32 s2, $0x6  }
0x9: {  	s10 =	sshll.u32 s8, $0x7;
	s11 =	smul.u32 $0x28000, s8;
	s8 =	ssub.s32 $0x2, s8  }
0xa: {  	_ =	strace $0x80000047;
	s9 =	sor.u32 s10, s9;
	s12 =	sshrl.u32 s8, $0x1  }
0xb: {  	s30 =	sshrl.u32 s13, $0x2;
	s9 =	sshrl.u32 s9, $0x3;
	s12 =	ssub.s32 s8, s12  }
0xc: {  	s29 =	sadd.s32 s28, s11;
	s13 =	sadd.s32 s30, s1;
	s9 =	sadd.s32 s9, s6  }
0xd: {  	s11 =	sshrl.u32 s29, $0x3;
	s6 =	sor.u32 $0x1C01, s31;
	s10 =	sshrl.u32 s13, $0x3  }
0xe: {  	s13 =	simm.s32 $0x80;
	s7 =	sadd.s32 s7, s11;
	s8 =	sadd.s32 $0x4600, s9  }
0xf: {  	s9 =	smax.u32 s12, $0x1;
	s11 =	simm.s32 $0x1;
	s12 =	simm.s32 $0x2800  }
.LBB2_1:
0x10: {  	[spmem:s10], [sflag:s6] =	dma.local [hbm:s5], $0x50  }
0x11: {  	_ =	swait.ge [sflag:s11], $0x50  }
0x12: {  	[sflag:s11] =	ssyncset.done $0x0  }
0x13: {  	[sflag:s11] =	ssyncadd.s32 $0xFFFFFFB0  }
0x14: {  	[tilespmem:s12], [sflag:$0x1] =	stream.linear.gather [hbm4b:s4+s3], $0x80, $0x38;
	[tilespmem:$0x2B00] =	vst v63  }
0x15: {  	_ =	swait.ge [sflag:s11], $0x80  }
0x16: {  	[sflag:s11] =	ssyncset.done $0x0  }
0x17: {  	[sflag:s11] =	ssyncadd.s32 $0xFFFFFF80  }
0x18: {  	[tilespmem:s3], [sflag:$0x1] =	stream.linear.gather [hbm4b:s7+s3], $0x2780, $0x38;
	[tilespmem:$0x2B00] =	vst v63  }
0x19: {  	_ =	swait.ge [sflag:s11], $0x2780  }
0x1a: {  	[sflag:s11] =	ssyncset.done $0x0  }
0x1b: {  	[sflag:s11] =	ssyncadd.s32 $0xFFFFD880  }
0x1c: {  	s17 =	simm.s32 $0x0;
	[bflag:$0x0] =	sbarrier.arrive $0xFFFF  }
0x1d: {  	[spmem:s1] =	stream.indirect.scatter.add.f32 [tilespmem:s12], [sflag:$0x1], $0x1, s17, s13, $0xb8;
	[tilespmem:$0x2B00] =	vst v63  }
0x1e: {  	_ =	swait.ge [sflag:s11], $0x80  }
0x1f: {  	s17 =	simm.s32 $0x200;
	[sflag:s11] =	ssyncset.done $0x0  }
.LBB2_2:
0x20: {  	s18 =	sshra.s32 s17, $0x2;
	[sflag:s11] =	ssyncadd.s32 $0xFFFFFF80;
	p0 =	sne.s32 s17, $0x9C00  }
0x21: {  	[spmem:s1] =	stream.indirect.scatter.add.f32 [tilespmem:s12], [sflag:$0x1], $0x1, s18, s13, $0xb8;
	[tilespmem:$0x2B00] =	vst v63  }
.Ltmp0:
0x22: {  	_ = 	snop;
	(pc) =	sbr.rel @p0 .LBB2_2-.Ltmp0, $4  }
0x23: {  	_ = 	snop  }
0x24: {  	s17 =	sadd.s32 $0x200, s17  }
0x25: {  	_ =	swait.ge [sflag:s11], $0x80  }
0x26: {  	[sflag:s11] =	ssyncset.done $0x0  }
0x27: {  	s16 =	sadd.s32 $0x1, s16  }
0x28: {  	[sflag:s11] =	ssyncadd.s32 $0xFFFFFF80;
	p0 =	sne.s32 s16, s9  }
.Ltmp1:
0x29: {  	[bflag:$0x0] =	sbarrier.arrive $0xFFFF;
	(pc) =	sbr.rel @p0 .LBB2_1-.Ltmp1, $4  }
0x2a: {  	[hbm:s8@s14], [sflag:s6] =	dma.strided [spmem:s10@s15], $0x50, s11, $0x10   }
0x2b: {  	_ =	swait.ge [sflag:s11], $0x50  }
0x2c: {  	[sflag:s11] =	ssyncset.done $0x0  }
0x2d: {  	[sflag:s11] =	ssyncadd.s32 $0xFFFFFFB0  }
0x2e: {  	_ =	sfence.sel $0x180000  }
0x2f: {  	[bflag:$0x0] =	sbarrier.arrive $0xFFFF  }
0x30: {  	p0 =	sne.s32 s2, $0x0;
	_ =	strace $0x90000047  }
0x31: {  	s0 =	sadd.s32 @!p0 $0x100000, s0;
	[bflag:$0x2] =	sbarrier.arrive $0xFFFF  }
0x32: {  	[sflag:s0] =	ssyncadd.tile.s32 @!p0 $0x1;
	_ =	shalt  }
.Lfunc_end2:
_tile_overlayer_lowered:
.L_overlay_start_2:
0x33: {  	(tag) =	ssettag $0x2  }
0x34: {  	s0 =	rddreg [dreg:$0x0];
	s2 =	stileid.u32  }
0x35: {  	s1 =	rddreg [dreg:$0x1];
	p0 =	sne.s32 s2, $0x0  }
0x36: {  	s3 =	rddreg [dreg:$0x2];
	[bflag:$0x3] =	sbarrier.arrive $0xFFFF;
	s2 =	simm.s32 @!p0 $0x1C01  }
0x37: {  	[timem:s3], [sflag:s2] =	dma.local @!p0 [hbm:s0], s1  }
0x38: {  	s0 =	simm.s32 @!p0 $0x1  }
0x39: {  	_ =	swait.ge @!p0 [sflag:s0], s1  }
0x3a: {  	s1 =	ssub.s32 @!p0 $0x0, s1;
	[sflag:s0] =	ssyncset.done @!p0 $0x0  }
0x3b: {  	[sflag:s0] =	ssyncadd.s32 @!p0 s1  }
0x3c: {  	[bflag:$0x3] =	sbarrier.arrive $0xFFFF  }
0x3d: {  	_ =	shalt  }

</sc_bundles>
